<compile_context>
chip_gen: v7x
topology: tpu7x:2x2x1
jax: 0.10.2.dev20260603
libtpu: 0.0.44.dev20260713+nightly
codegen_flags: <defaults>
</compile_context>

<pallas_src>
import dataclasses
import functools

import jax
import jax.numpy as jnp
from jax import lax
from jax.experimental import pallas as pl
from jax.experimental.pallas import tpu as pltpu
from jax.experimental.pallas import tpu_sc as plsc

NLANE = 16
NSUB = 16
NCORE = 2


def _prep_call(N, BL, W, HW, SURF, interpret=False):
  G = (N + BL - 1) // BL

  def body(ev_ref, idx_ref, t_ref):
    a = ev_ref[...]
    xi = a[0].astype(jnp.int32)
    yi = a[1].astype(jnp.int32)
    pi = a[3].astype(jnp.int32)
    bi = a[4].astype(jnp.int32)
    idx_ref[...] = bi * SURF + pi * HW + yi * W + xi
    t_ref[...] = a[2]

  return pl.pallas_call(
      body,
      grid=(G,),
      in_specs=[pl.BlockSpec((5, BL), lambda i: (0, i))],
      out_specs=[
          pl.BlockSpec((BL,), lambda i: (i,)),
          pl.BlockSpec((BL,), lambda i: (i,)),
      ],
      out_shape=[
          jax.ShapeDtypeStruct((N,), jnp.int32),
          jax.ShapeDtypeStruct((N,), jnp.float32),
      ],
      interpret=interpret,
  )


def _sc_call(NP, Bn, SURF, E, interpret=False):
  CPT = SURF // NSUB
  BPC = Bn // NCORE
  BIG = jnp.float32(3.0e38)
  mesh = plsc.VectorSubcoreMesh(core_axis_name="core",
                                subcore_axis_name="subcore",
                                num_cores=NCORE, num_subcores=NSUB)
  cp = pltpu.CompilerParams()
  if "needs_layout_passes" in pltpu.CompilerParams.__dataclass_fields__:
    cp = dataclasses.replace(cp, needs_layout_passes=False)

  @functools.partial(
      pl.kernel,
      out_type=jax.ShapeDtypeStruct((Bn * SURF,), jnp.float32),
      mesh=mesh,
      compiler_params=cp,
      scratch_types=[
          pltpu.VMEM((544,), jnp.int32),
          pltpu.VMEM((E + 16,), jnp.int32),
          pltpu.VMEM((E + 16,), jnp.float32),
          pltpu.VMEM((CPT,), jnp.float32),
          pltpu.VMEM((CPT,), jnp.float32),
          pltpu.VMEM((NLANE,), jnp.float32),
          pltpu.VMEM((NSUB * NLANE,), jnp.float32),
          pltpu.VMEM_SHARED((NSUB * NLANE,), jnp.float32),
          pltpu.SemaphoreType.DMA,
          pltpu.SemaphoreType.DMA,
          pltpu.SemaphoreType.DMA,
      ],
      interpret=interpret,
  )
  def call(si_hbm, st_hbm, bounds_hbm, out_hbm,
           boundsv, cellb, tb, slab, outb, stage, minall, minshared,
           sem_i, sem_t, sem_o):
    c = lax.axis_index("core")
    s = lax.axis_index("subcore")
    pltpu.sync_copy(bounds_hbm, boundsv)
    lanes = lax.iota(jnp.int32, NLANE)

    @pl.loop(0, CPT, step=NLANE, unroll=8)
    def _zero0(i):
      slab[pl.ds(i, NLANE)] = jnp.zeros((NLANE,), jnp.float32)

    def _out_dma(bi):
      dst = out_hbm.at[pl.ds(pl.multiple_of(bi * SURF + s * CPT, 8), CPT)]
      return pltpu.make_async_copy(outb, dst, sem_o)

    @pl.loop(0, BPC)
    def _batch(j):
      bi = c * BPC + j
      k = bi * NSUB + s
      kv = jnp.full((NLANE,), k, jnp.int32)
      bstart = jnp.min(plsc.load_gather(boundsv, [kv]), axis=0)
      bend = jnp.min(plsc.load_gather(boundsv, [kv + 1]), axis=0)
      lo = k * CPT

      start8 = bstart & jnp.int32(-8)
      nch = (bend - start8 + (E - 1)) // E

      def _chunk(k2, macc):
        off = pl.multiple_of(start8 + k2 * E, 8)
        ca = pltpu.make_async_copy(si_hbm.at[pl.ds(off, E + 16)],
                                   cellb, sem_i)
        cb = pltpu.make_async_copy(st_hbm.at[pl.ds(off, E + 16)],
                                   tb, sem_t)
        ca.start()
        cb.start()
        ca.wait()
        cb.wait()

        nv = jnp.minimum(bend - off, E)

        def _vec(v, macc):
          cv = cellb[pl.ds(v, NLANE)]
          tv = tb[pl.ds(v, NLANE)]
          nxt = plsc.load_gather(cellb, [lanes + (v + 1)])
          pos = off + v + lanes
          keep = (pos >= bstart) & (pos < bend) & (cv != nxt)
          loc = jnp.where(keep, cv - lo, 0)
          plsc.store_scatter(slab, [loc], tv, mask=keep)
          return jnp.minimum(macc, jnp.where(keep, tv, BIG))

        return pl.loop(0, nv, step=NLANE, init_carry=macc)(_vec)

      macc = lax.fori_loop(0, nch, _chunk,
                           jnp.full((NLANE,), BIG, jnp.float32))
      lmin = jnp.min(macc, axis=0)
      stage[...] = jnp.full((NLANE,), lmin, jnp.float32)
      pltpu.sync_copy(stage,
                      minshared.at[pl.ds(pl.multiple_of(s * NLANE, 8),
                                         NLANE)])
      plsc.subcore_barrier()
      pltpu.sync_copy(minshared, minall)
      plsc.subcore_barrier()

      def _min2(i, acc):
        return jnp.minimum(acc, minall[pl.ds(i * NLANE, NLANE)])
      acc2 = lax.fori_loop(0, NSUB, _min2,
                           jnp.full((NLANE,), BIG, jnp.float32))
      bmin = jnp.min(acc2, axis=0)

      @pl.when(j > 0)
      def _():
        _out_dma(bi - 1).wait()

      @pl.loop(0, CPT, step=NLANE, unroll=8)
      def _sub(i):
        vv = slab[pl.ds(i, NLANE)]
        outb[pl.ds(i, NLANE)] = jnp.maximum(vv - bmin, jnp.float32(0.0))
        slab[pl.ds(i, NLANE)] = jnp.zeros((NLANE,), jnp.float32)

      _out_dma(bi).start()

    _out_dma(c * BPC + BPC - 1).wait()

  return call


def _run(events, Bn, H, W, BL, E, interpret=False):
  N, five = events.shape
  assert five == 5
  HW = H * W
  SURF = 2 * HW
  CPT = SURF // NSUB
  idx1, t1 = _prep_call(N, BL, W, HW, SURF, interpret=interpret)(events.T)
  si, st = lax.sort([idx1, t1], dimension=0, num_keys=1, is_stable=False)
  nseg = Bn * NSUB
  bounds = jnp.searchsorted(
      si, jnp.arange(nseg + 1, dtype=jnp.int32) * CPT,
      side="left").astype(jnp.int32)
  bounds = jnp.concatenate(
      [bounds, jnp.full((544 - (nseg + 1),), N, jnp.int32)])
  PAD = E + 32
  si_p = jnp.concatenate(
      [si, jnp.full((PAD,), jnp.int32(2**31 - 1))])
  st_p = jnp.concatenate([st, jnp.zeros((PAD,), jnp.float32)])
  out = _sc_call(N + PAD, Bn, SURF, E, interpret=interpret)(
      si_p, st_p, bounds)
  return out.reshape(Bn, 2, H, W)


def kernel(events):
  return _run(events, Bn=32, H=480, W=640, BL=8192, E=8192)

# --- scband reference (transcript-rebuilt; emitter-appended) ---
"""Pipeline reference for scband-to-time-surface-57878979281423 (READ-ONLY COPY).

The authoritative reference and input builder live on the scoring server;
editing this copy changes nothing except your own understanding.
"""

import jax, jax.numpy as jnp
import numpy as np

B = 32
H, W = 480, 640
N = 2000000

def setup_inputs(seed: int = 0):
    key = jax.random.key(seed)
    kx, ky, kt, kp, kb = jax.random.split(key, 5)
    x = jax.random.randint(kx, (N,), 0, W).astype(jnp.float32)
    y = jax.random.randint(ky, (N,), 0, H).astype(jnp.float32)
    t = jax.random.uniform(kt, (N,), minval=0.01, maxval=1.0, dtype=jnp.float32)
    p = jax.random.randint(kp, (N,), 0, 2).astype(jnp.float32)
    b = jnp.sort(jax.random.randint(kb, (N,), 0, B)).astype(jnp.float32)
    b = b.at[-1].set(float(B - 1))
    events = jnp.stack([x, y, t, p, b], axis=1)
    return {"events": events}

def reference(events):
    # B = 1 + last batch index (events are sorted by batch index)
    Bn = B
    x = events[:, 0].astype(jnp.int32)
    y = events[:, 1].astype(jnp.int32)
    t = events[:, 2]
    p = events[:, 3].astype(jnp.int32)
    bi = events[:, 4].astype(jnp.int32)
    # flattened destination index into (B, 2, H, W)
    idx = bi * (2 * H * W) + p * (H * W) + y * W + x
    # scatter-overwrite (torch put_ with accumulate=False)
    flat = jnp.zeros((Bn * 2 * H * W,), dtype=t.dtype).at[idx].set(t)
    ts = flat.reshape(Bn, 2, H, W)
    fb = ts.reshape(Bn, -1)
    # second-smallest unique value per batch surface. Since every timestamp is > 0
    # and zeros remain in the surface (far fewer events than cells), the sorted
    # unique values start with 0, so the second-smallest unique value equals the
    # minimum over strictly-positive entries.
    second_min = jnp.min(jnp.where(fb > 0, fb, jnp.inf), axis=1)
    second_min = second_min.reshape(Bn, 1, 1, 1)
    out = jnp.clip(ts - second_min, 0.0, None)
    return out.astype(jnp.float32)

if __name__ == "__main__":
    import jax
    _d = setup_inputs()
    print(jax.jit(kernel)(*tuple(_d.values())))

</pallas_src>

<mosaic_0001>
#map = affine_map<(d0, d1) -> (0)>
module attributes {stable_mosaic.version = 14 : i64} {
  func.func @_rewritten_body(%arg0: i32, %arg1: i32, %arg2: memref<2008224xi32, #tpu.memory_space<hbm>>, %arg3: memref<2008224xf32, #tpu.memory_space<hbm>>, %arg4: memref<544xi32, #tpu.memory_space<hbm>>, %arg5: memref<1xf32, #tpu.memory_space<hbm>>, %arg6: memref<19660800xf32, #tpu.memory_space<hbm>>, %arg7: memref<544xi32, #tpu.memory_space<vmem>>, %arg8: memref<8208xi32, #tpu.memory_space<vmem>>, %arg9: memref<8208xf32, #tpu.memory_space<vmem>>, %arg10: memref<38400xf32, #tpu.memory_space<vmem>>, %arg11: memref<38400xf32, #tpu.memory_space<vmem>>, %arg12: memref<16xf32, #tpu.memory_space<vmem>>, %arg13: memref<256xf32, #tpu.memory_space<vmem>>, %arg14: memref<256xf32, #tpu.memory_space<vmem_shared>>, %arg15: memref<!tpu.dma_semaphore, #tpu.memory_space<semaphore_mem>>, %arg16: memref<!tpu.dma_semaphore, #tpu.memory_space<semaphore_mem>>, %arg17: memref<!tpu.dma_semaphore, #tpu.memory_space<semaphore_mem>>) attributes {dimension_semantics = [#tpu.dimension_semantics<core_parallel>, #tpu.dimension_semantics<subcore_parallel>], iteration_bounds = array<i64: 2, 16>, scalar_prefetch = 0 : i64, scratch_operands = 11 : i64, tpu.core_type = #tpu.core_type<sc_vector_subcore>, window_params = [{transform_indices = #map}, {transform_indices = #map}, {transform_indices = #map}, {transform_indices = #map}, {transform_indices = #map}]} {
    %empty_ref3A = memref.alloca() : memref<16xf32, #tpu.memory_space<vmem>>
    "tpu.region"() ({
      %run_scoped3A = tpu.sem_alloc : memref<!tpu.dma_semaphore, #tpu.memory_space<semaphore_mem>>
      %dma_start3A = arith.constant 0 : i32
      %dma_start3A_19 = tpu.memref_slice %empty_ref3A[%dma_start3A] : memref<16xf32, #tpu.memory_space<vmem>> -> memref<1xf32, #tpu.memory_space<vmem>>
      %dma_start3A_20 = arith.constant 0 : i32
      %dma_start3A_21 = tpu.memref_slice %empty_ref3A[%dma_start3A_20] : memref<16xf32, #tpu.memory_space<vmem>> -> memref<1xf32, #tpu.memory_space<vmem>>
      tpu.enqueue_dma source(%arg5 : memref<1xf32, #tpu.memory_space<hbm>>) target(%dma_start3A_21 : memref<1xf32, #tpu.memory_space<vmem>>) target_semaphore(%run_scoped3A : memref<!tpu.dma_semaphore, #tpu.memory_space<semaphore_mem>>)
      %dma_wait3A_22 = arith.constant 0 : i32
      %dma_wait3A_23 = tpu.memref_slice %empty_ref3A[%dma_wait3A_22] : memref<16xf32, #tpu.memory_space<vmem>> -> memref<1xf32, #tpu.memory_space<vmem>>
      %dma_wait3A_24 = arith.constant 0 : i32
      %dma_wait3A_25 = tpu.memref_slice %empty_ref3A[%dma_wait3A_24] : memref<16xf32, #tpu.memory_space<vmem>> -> memref<1xf32, #tpu.memory_space<vmem>>
      tpu.wait_dma2 semaphore(%run_scoped3A : memref<!tpu.dma_semaphore, #tpu.memory_space<semaphore_mem>>) src(%arg5 : memref<1xf32, #tpu.memory_space<hbm>>) dst(%dma_wait3A_25 : memref<1xf32, #tpu.memory_space<vmem>>)
      tpu.yield
    }) : () -> ()
    %get3A = arith.constant 0 : index
    %get3A_0 = tpu.vector_load %empty_ref3A[%get3A] {strides = array<i32>} : memref<16xf32, #tpu.memory_space<vmem>>, vector<16xf32>,
    %slice3A = vector.extract_strided_slice %get3A_0 {offsets = [0], sizes = [1], strides = [1]} : vector<16xf32> to vector<1xf32>
    %squeeze3A = vector.extract %slice3A[0] : f32 from vector<1xf32>
    "tpu.region"() ({
      %run_scoped3A = tpu.sem_alloc : memref<!tpu.dma_semaphore, #tpu.memory_space<semaphore_mem>>
      tpu.enqueue_dma source(%arg4 : memref<544xi32, #tpu.memory_space<hbm>>) target(%arg7 : memref<544xi32, #tpu.memory_space<vmem>>) target_semaphore(%run_scoped3A : memref<!tpu.dma_semaphore, #tpu.memory_space<semaphore_mem>>)
      tpu.wait_dma2 semaphore(%run_scoped3A : memref<!tpu.dma_semaphore, #tpu.memory_space<semaphore_mem>>) src(%arg4 : memref<544xi32, #tpu.memory_space<hbm>>) dst(%arg7 : memref<544xi32, #tpu.memory_space<vmem>>)
      tpu.yield
    }) : () -> ()
    %iota3A = tpu.iota {dimensions = array<i32: 0>} : vector<16xi32>
    %scan3A = arith.constant 0 : i32
    %scan3A_1 = arith.constant 2400 : i32
    %scan3A_2 = arith.addi %scan3A, %scan3A_1 : i32
    %scan3A_3 = arith.constant 8 : i32
    scf.for %scan3A_19 = %scan3A to %scan3A_2 step %scan3A_3  : i32 {
      %mul3A_20 = arith.constant 16 : i32
      %mul3A_21 = arith.muli %scan3A_19, %mul3A_20 : i32
      %add3A_22 = arith.constant 0 : i32
      %add3A_23 = arith.addi %add3A_22, %mul3A_21 : i32
      %broadcast_in_dim3A = arith.constant 0.000000e+00 : f32
      %broadcast_in_dim3A_24 = vector.broadcast %broadcast_in_dim3A : f32 to vector<16xf32>
      %swap3A = arith.index_cast %add3A_23 : i32 to index
      %swap3A_25 = tpu.vector_load %arg10[%swap3A] {strides = array<i32>} : memref<38400xf32, #tpu.memory_space<vmem>>, vector<16xf32>,
      tpu.vector_store %arg10[%swap3A], %broadcast_in_dim3A_24 {strides = array<i32>} : memref<38400xf32, #tpu.memory_space<vmem>>, vector<16xf32>,
      %scan3A_26 = arith.constant 1 : i32
      %scan3A_27 = arith.addi %scan3A_19, %scan3A_26 : i32
      %mul3A_28 = arith.constant 16 : i32
      %mul3A_29 = arith.muli %scan3A_27, %mul3A_28 : i32
      %add3A_30 = arith.constant 0 : i32
      %add3A_31 = arith.addi %add3A_30, %mul3A_29 : i32
      %broadcast_in_dim3A_32 = arith.constant 0.000000e+00 : f32
      %broadcast_in_dim3A_33 = vector.broadcast %broadcast_in_dim3A_32 : f32 to vector<16xf32>
      %swap3A_34 = arith.index_cast %add3A_31 : i32 to index
      %swap3A_35 = tpu.vector_load %arg10[%swap3A_34] {strides = array<i32>} : memref<38400xf32, #tpu.memory_space<vmem>>, vector<16xf32>,
      tpu.vector_store %arg10[%swap3A_34], %broadcast_in_dim3A_33 {strides = array<i32>} : memref<38400xf32, #tpu.memory_space<vmem>>, vector<16xf32>,
      %scan3A_36 = arith.constant 2 : i32
      %scan3A_37 = arith.addi %scan3A_19, %scan3A_36 : i32
      %mul3A_38 = arith.constant 16 : i32
      %mul3A_39 = arith.muli %scan3A_37, %mul3A_38 : i32
      %add3A_40 = arith.constant 0 : i32
      %add3A_41 = arith.addi %add3A_40, %mul3A_39 : i32
      %broadcast_in_dim3A_42 = arith.constant 0.000000e+00 : f32
      %broadcast_in_dim3A_43 = vector.broadcast %broadcast_in_dim3A_42 : f32 to vector<16xf32>
      %swap3A_44 = arith.index_cast %add3A_41 : i32 to index
      %swap3A_45 = tpu.vector_load %arg10[%swap3A_44] {strides = array<i32>} : memref<38400xf32, #tpu.memory_space<vmem>>, vector<16xf32>,
      tpu.vector_store %arg10[%swap3A_44], %broadcast_in_dim3A_43 {strides = array<i32>} : memref<38400xf32, #tpu.memory_space<vmem>>, vector<16xf32>,
      %scan3A_46 = arith.constant 3 : i32
      %scan3A_47 = arith.addi %scan3A_19, %scan3A_46 : i32
      %mul3A_48 = arith.constant 16 : i32
      %mul3A_49 = arith.muli %scan3A_47, %mul3A_48 : i32
      %add3A_50 = arith.constant 0 : i32
      %add3A_51 = arith.addi %add3A_50, %mul3A_49 : i32
      %broadcast_in_dim3A_52 = arith.constant 0.000000e+00 : f32
      %broadcast_in_dim3A_53 = vector.broadcast %broadcast_in_dim3A_52 : f32 to vector<16xf32>
      %swap3A_54 = arith.index_cast %add3A_51 : i32 to index
      %swap3A_55 = tpu.vector_load %arg10[%swap3A_54] {strides = array<i32>} : memref<38400xf32, #tpu.memory_space<vmem>>, vector<16xf32>,
      tpu.vector_store %arg10[%swap3A_54], %broadcast_in_dim3A_53 {strides = array<i32>} : memref<38400xf32, #tpu.memory_space<vmem>>, vector<16xf32>,
      %scan3A_56 = arith.constant 4 : i32
      %scan3A_57 = arith.addi %scan3A_19, %scan3A_56 : i32
      %mul3A_58 = arith.constant 16 : i32
      %mul3A_59 = arith.muli %scan3A_57, %mul3A_58 : i32
      %add3A_60 = arith.constant 0 : i32
      %add3A_61 = arith.addi %add3A_60, %mul3A_59 : i32
      %broadcast_in_dim3A_62 = arith.constant 0.000000e+00 : f32
      %broadcast_in_dim3A_63 = vector.broadcast %broadcast_in_dim3A_62 : f32 to vector<16xf32>
      %swap3A_64 = arith.index_cast %add3A_61 : i32 to index
      %swap3A_65 = tpu.vector_load %arg10[%swap3A_64] {strides = array<i32>} : memref<38400xf32, #tpu.memory_space<vmem>>, vector<16xf32>,
      tpu.vector_store %arg10[%swap3A_64], %broadcast_in_dim3A_63 {strides = array<i32>} : memref<38400xf32, #tpu.memory_space<vmem>>, vector<16xf32>,
      %scan3A_66 = arith.constant 5 : i32
      %scan3A_67 = arith.addi %scan3A_19, %scan3A_66 : i32
      %mul3A_68 = arith.constant 16 : i32
      %mul3A_69 = arith.muli %scan3A_67, %mul3A_68 : i32
      %add3A_70 = arith.constant 0 : i32
      %add3A_71 = arith.addi %add3A_70, %mul3A_69 : i32
      %broadcast_in_dim3A_72 = arith.constant 0.000000e+00 : f32
      %broadcast_in_dim3A_73 = vector.broadcast %broadcast_in_dim3A_72 : f32 to vector<16xf32>
      %swap3A_74 = arith.index_cast %add3A_71 : i32 to index
      %swap3A_75 = tpu.vector_load %arg10[%swap3A_74] {strides = array<i32>} : memref<38400xf32, #tpu.memory_space<vmem>>, vector<16xf32>,
      tpu.vector_store %arg10[%swap3A_74], %broadcast_in_dim3A_73 {strides = array<i32>} : memref<38400xf32, #tpu.memory_space<vmem>>, vector<16xf32>,
      %scan3A_76 = arith.constant 6 : i32
      %scan3A_77 = arith.addi %scan3A_19, %scan3A_76 : i32
      %mul3A_78 = arith.constant 16 : i32
      %mul3A_79 = arith.muli %scan3A_77, %mul3A_78 : i32
      %add3A_80 = arith.constant 0 : i32
      %add3A_81 = arith.addi %add3A_80, %mul3A_79 : i32
      %broadcast_in_dim3A_82 = arith.constant 0.000000e+00 : f32
      %broadcast_in_dim3A_83 = vector.broadcast %broadcast_in_dim3A_82 : f32 to vector<16xf32>
      %swap3A_84 = arith.index_cast %add3A_81 : i32 to index
      %swap3A_85 = tpu.vector_load %arg10[%swap3A_84] {strides = array<i32>} : memref<38400xf32, #tpu.memory_space<vmem>>, vector<16xf32>,
      tpu.vector_store %arg10[%swap3A_84], %broadcast_in_dim3A_83 {strides = array<i32>} : memref<38400xf32, #tpu.memory_space<vmem>>, vector<16xf32>,
      %scan3A_86 = arith.constant 7 : i32
      %scan3A_87 = arith.addi %scan3A_19, %scan3A_86 : i32
      %mul3A_88 = arith.constant 16 : i32
      %mul3A_89 = arith.muli %scan3A_87, %mul3A_88 : i32
      %add3A_90 = arith.constant 0 : i32
      %add3A_91 = arith.addi %add3A_90, %mul3A_89 : i32
      %broadcast_in_dim3A_92 = arith.constant 0.000000e+00 : f32
      %broadcast_in_dim3A_93 = vector.broadcast %broadcast_in_dim3A_92 : f32 to vector<16xf32>
      %swap3A_94 = arith.index_cast %add3A_91 : i32 to index
      %swap3A_95 = tpu.vector_load %arg10[%swap3A_94] {strides = array<i32>} : memref<38400xf32, #tpu.memory_space<vmem>>, vector<16xf32>,
      tpu.vector_store %arg10[%swap3A_94], %broadcast_in_dim3A_93 {strides = array<i32>} : memref<38400xf32, #tpu.memory_space<vmem>>, vector<16xf32>,
    }
    %scan3A_4 = arith.constant 2400 : i32
    %scan3A_5 = arith.constant 0 : i32
    %scan3A_6 = arith.constant 16 : i32
    %scan3A_7 = arith.addi %scan3A_5, %scan3A_6 : i32
    %scan3A_8 = arith.constant 1 : i32
    scf.for %scan3A_19 = %scan3A_5 to %scan3A_7 step %scan3A_8  : i32 {
      %mul3A_20 = arith.constant 1 : i32
      %mul3A_21 = arith.muli %scan3A_19, %mul3A_20 : i32
      %add3A_22 = arith.constant 0 : i32
      %add3A_23 = arith.addi %add3A_22, %mul3A_21 : i32
      %mul3A_24 = arith.constant 16 : i32
      %mul3A_25 = arith.muli %arg0, %mul3A_24 : i32
      %add3A_26 = arith.addi %mul3A_25, %add3A_23 : i32
      %mul3A_27 = arith.constant 16 : i32
      %mul3A_28 = arith.muli %add3A_26, %mul3A_27 : i32
      %add3A_29 = arith.addi %mul3A_28, %arg1 : i32
      %broadcast_in_dim3A = vector.broadcast %add3A_29 : i32 to vector<16xi32>
      %gather3A = tpu.vector_load_idx %arg7[%broadcast_in_dim3A] : memref<544xi32, #tpu.memory_space<vmem>>[vector<16xi32>], vector<16xi32>,
      %reduce_min3A = arith.constant true
      %reduce_min3A_30 = vector.broadcast %reduce_min3A : i1 to vector<16xi1>
      %reduce_min3A_31 = arith.constant -2147483648 : i32
      %reduce_min3A_32 = vector.broadcast %reduce_min3A_31 : i32 to vector<16xi32>
      %reduce_min3A_33 = arith.xori %gather3A, %reduce_min3A_32 : vector<16xi32>
      %reduce_min3A_34 = tpu.scan <min>, %reduce_min3A_33 masked %reduce_min3A_30 : vector<16xi32>, vector<16xi1> -> vector<16xi32>
      %reduce_min3A_35 = arith.xori %reduce_min3A_34, %reduce_min3A_32 : vector<16xi32>
      %reduce_min3A_36 = vector.extract %reduce_min3A_35[15] : i32 from vector<16xi32>
      %add3A_37 = arith.constant 1 : i32
      %add3A_38 = vector.broadcast %add3A_37 : i32 to vector<16xi32>
      %add3A_39 = arith.addi %broadcast_in_dim3A, %add3A_38 : vector<16xi32>
      %gather3A_40 = tpu.vector_load_idx %arg7[%add3A_39] : memref<544xi32, #tpu.memory_space<vmem>>[vector<16xi32>], vector<16xi32>,
      %reduce_min3A_41 = arith.constant true
      %reduce_min3A_42 = vector.broadcast %reduce_min3A_41 : i1 to vector<16xi1>
      %reduce_min3A_43 = arith.constant -2147483648 : i32
      %reduce_min3A_44 = vector.broadcast %reduce_min3A_43 : i32 to vector<16xi32>
      %reduce_min3A_45 = arith.xori %gather3A_40, %reduce_min3A_44 : vector<16xi32>
      %reduce_min3A_46 = tpu.scan <min>, %reduce_min3A_45 masked %reduce_min3A_42 : vector<16xi32>, vector<16xi1> -> vector<16xi32>
      %reduce_min3A_47 = arith.xori %reduce_min3A_46, %reduce_min3A_44 : vector<16xi32>
      %reduce_min3A_48 = vector.extract %reduce_min3A_47[15] : i32 from vector<16xi32>
      %mul3A_49 = arith.constant 38400 : i32
      %mul3A_50 = arith.muli %add3A_29, %mul3A_49 : i32
      %and3A = arith.constant -8 : i32
      %and3A_51 = arith.andi %reduce_min3A_36, %and3A : i32
      %sub3A_52 = arith.subi %reduce_min3A_48, %and3A_51 : i32
      %add3A_53 = arith.constant 8191 : i32
      %add3A_54 = arith.addi %sub3A_52, %add3A_53 : i32
      %jit3A = arith.constant 8192 : i32
      %div3A = arith.divsi %add3A_54, %jit3A : i32
      %sign3A = arith.constant 0 : i32
      %sign3A_55 = arith.cmpi sgt, %add3A_54, %sign3A : i32
      %sign3A_56 = arith.extui %sign3A_55 : i1 to i32
      %sign3A_57 = arith.constant 0 : i32
      %sign3A_58 = arith.cmpi slt, %add3A_54, %sign3A_57 : i32
      %sign3A_59 = arith.extui %sign3A_58 : i1 to i32
      %sign3A_60 = arith.subi %sign3A_56, %sign3A_59 : i32
      %sign3A_61 = arith.constant 0 : i32
      %sign3A_62 = arith.cmpi sgt, %jit3A, %sign3A_61 : i32
      %sign3A_63 = arith.extui %sign3A_62 : i1 to i32
      %sign3A_64 = arith.constant 0 : i32
      %sign3A_65 = arith.cmpi slt, %jit3A, %sign3A_64 : i32
      %sign3A_66 = arith.extui %sign3A_65 : i1 to i32
      %sign3A_67 = arith.subi %sign3A_63, %sign3A_66 : i32
      %ne3A = arith.cmpi ne, %sign3A_60, %sign3A_67 : i32
      %rem3A = arith.remsi %add3A_54, %jit3A : i32
      %ne3A_68 = arith.constant 0 : i32
      %ne3A_69 = arith.cmpi ne, %rem3A, %ne3A_68 : i32
      %and3A_70 = arith.andi %ne3A, %ne3A_69 : i1
      %sub3A_71 = arith.constant 1 : i32
      %sub3A_72 = arith.subi %div3A, %sub3A_71 : i32
      %select_n3A = arith.select %and3A_70, %sub3A_72, %div3A : i32
      %broadcast_in_dim3A_73 = vector.broadcast %squeeze3A : f32 to vector<16xf32>
      %while3A = arith.constant 0 : i32
      %while3A_74 = arith.subi %select_n3A, %while3A : i32
      %while3A_75 = arith.addi %while3A, %while3A_74 : i32
      %while3A_76 = arith.constant 1 : i32
      %while3A_77 = arith.divsi %while3A_74, %while3A_76 : i32
      %while3A_78 = arith.muli %while3A_77, %while3A_76 : i32
      %while3A_79 = arith.addi %while3A, %while3A_78 : i32
      %while3A_80 = arith.constant 1 : i32
      %while3A_81 = scf.for %while3A_119 = %while3A to %while3A_79 step %while3A_80 iter_args(%while3A_120 = %broadcast_in_dim3A_73) -> (vector<16xf32>)  : i32 {
        %mul3A_121 = arith.constant 8192 : i32
        %mul3A_122 = arith.muli %while3A_119, %mul3A_121 : i32
        %add3A_123 = arith.addi %and3A_51, %mul3A_122 : i32
        %multiple_of3A_124 = tpu.assume_multiple %add3A_123, 8 : i32
        %dma_start3A_125 = tpu.memref_slice %arg2[%multiple_of3A_124] : memref<2008224xi32, #tpu.memory_space<hbm>> -> memref<8208xi32, #tpu.memory_space<hbm>>
        %dma_start3A_126 = tpu.memref_slice %arg2[%multiple_of3A_124] : memref<2008224xi32, #tpu.memory_space<hbm>> -> memref<8208xi32, #tpu.memory_space<hbm>>
        tpu.enqueue_dma source(%dma_start3A_126 : memref<8208xi32, #tpu.memory_space<hbm>>) target(%arg8 : memref<8208xi32, #tpu.memory_space<vmem>>) target_semaphore(%arg15 : memref<!tpu.dma_semaphore, #tpu.memory_space<semaphore_mem>>)
        %dma_start3A_127 = tpu.memref_slice %arg3[%multiple_of3A_124] : memref<2008224xf32, #tpu.memory_space<hbm>> -> memref<8208xf32, #tpu.memory_space<hbm>>
        %dma_start3A_128 = tpu.memref_slice %arg3[%multiple_of3A_124] : memref<2008224xf32, #tpu.memory_space<hbm>> -> memref<8208xf32, #tpu.memory_space<hbm>>
        tpu.enqueue_dma source(%dma_start3A_128 : memref<8208xf32, #tpu.memory_space<hbm>>) target(%arg9 : memref<8208xf32, #tpu.memory_space<vmem>>) target_semaphore(%arg16 : memref<!tpu.dma_semaphore, #tpu.memory_space<semaphore_mem>>)
        %dma_wait3A_129 = tpu.memref_slice %arg2[%multiple_of3A_124] : memref<2008224xi32, #tpu.memory_space<hbm>> -> memref<8208xi32, #tpu.memory_space<hbm>>
        %dma_wait3A_130 = tpu.memref_slice %arg2[%multiple_of3A_124] : memref<2008224xi32, #tpu.memory_space<hbm>> -> memref<8208xi32, #tpu.memory_space<hbm>>
        tpu.wait_dma2 semaphore(%arg15 : memref<!tpu.dma_semaphore, #tpu.memory_space<semaphore_mem>>) src(%dma_wait3A_130 : memref<8208xi32, #tpu.memory_space<hbm>>) dst(%arg8 : memref<8208xi32, #tpu.memory_space<vmem>>)
        %dma_wait3A_131 = tpu.memref_slice %arg3[%multiple_of3A_124] : memref<2008224xf32, #tpu.memory_space<hbm>> -> memref<8208xf32, #tpu.memory_space<hbm>>
        %dma_wait3A_132 = tpu.memref_slice %arg3[%multiple_of3A_124] : memref<2008224xf32, #tpu.memory_space<hbm>> -> memref<8208xf32, #tpu.memory_space<hbm>>
        tpu.wait_dma2 semaphore(%arg16 : memref<!tpu.dma_semaphore, #tpu.memory_space<semaphore_mem>>) src(%dma_wait3A_132 : memref<8208xf32, #tpu.memory_space<hbm>>) dst(%arg9 : memref<8208xf32, #tpu.memory_space<vmem>>)
        %sub3A_133 = arith.subi %reduce_min3A_48, %multiple_of3A_124 : i32
        %min3A = arith.constant 8192 : i32
        %min3A_134 = arith.minsi %sub3A_133, %min3A : i32
        %sub3A_135 = arith.constant 0 : i32
        %sub3A_136 = arith.subi %min3A_134, %sub3A_135 : i32
        %sub3A_137 = arith.constant 16 : i32
        %sub3A_138 = arith.constant 1 : i32
        %sub3A_139 = arith.subi %sub3A_137, %sub3A_138 : i32
        %add3A_140 = arith.addi %sub3A_136, %sub3A_139 : i32
        %div3A_141 = arith.constant 16 : i32
        %div3A_142 = arith.divsi %add3A_140, %div3A_141 : i32
        %while3A_143 = arith.constant 16 : i32
        %while3A_144 = arith.constant 0 : i32
        %while3A_145 = arith.constant 0 : i32
        %while3A_146 = arith.subi %div3A_142, %while3A_145 : i32
        %while3A_147 = arith.addi %while3A_145, %while3A_146 : i32
        %while3A_148 = arith.constant 1 : i32
        %while3A_149 = arith.divsi %while3A_146, %while3A_148 : i32
        %while3A_150 = arith.muli %while3A_149, %while3A_148 : i32
        %while3A_151 = arith.addi %while3A_145, %while3A_150 : i32
        %while3A_152 = arith.constant 1 : i32
        %while3A_153 = scf.for %while3A_156 = %while3A_145 to %while3A_151 step %while3A_152 iter_args(%while3A_157 = %while3A_120) -> (vector<16xf32>)  : i32 {
          %mul3A_158 = arith.muli %while3A_156, %while3A_143 : i32
          %add3A_159 = arith.addi %while3A_144, %mul3A_158 : i32
          %get3A_160 = arith.index_cast %add3A_159 : i32 to index
          %get3A_161 = tpu.vector_load %arg8[%get3A_160] {strides = array<i32>} : memref<8208xi32, #tpu.memory_space<vmem>>, vector<16xi32>,
          %get3A_162 = arith.index_cast %add3A_159 : i32 to index
          %get3A_163 = tpu.vector_load %arg9[%get3A_162] {strides = array<i32>} : memref<8208xf32, #tpu.memory_space<vmem>>, vector<16xf32>,
          %add3A_164 = arith.constant 1 : i32
          %add3A_165 = arith.addi %add3A_159, %add3A_164 : i32
          %add3A_166 = vector.broadcast %add3A_165 : i32 to vector<16xi32>
          %add3A_167 = arith.addi %iota3A, %add3A_166 : vector<16xi32>
          %gather3A_168 = tpu.vector_load_idx %arg8[%add3A_167] : memref<8208xi32, #tpu.memory_space<vmem>>[vector<16xi32>], vector<16xi32>,
          %add3A_169 = arith.addi %multiple_of3A_124, %add3A_159 : i32
          %add3A_170 = vector.broadcast %add3A_169 : i32 to vector<16xi32>
          %add3A_171 = arith.addi %add3A_170, %iota3A : vector<16xi32>
          %ge3A = vector.broadcast %reduce_min3A_36 : i32 to vector<16xi32>
          %ge3A_172 = arith.cmpi sge, %add3A_171, %ge3A : vector<16xi32>
          %lt3A = vector.broadcast %reduce_min3A_48 : i32 to vector<16xi32>
          %lt3A_173 = arith.cmpi slt, %add3A_171, %lt3A : vector<16xi32>
          %and3A_174 = arith.andi %ge3A_172, %lt3A_173 : vector<16xi1>
          %ne3A_175 = arith.cmpi ne, %get3A_161, %gather3A_168 : vector<16xi32>
          %and3A_176 = arith.andi %and3A_174, %ne3A_175 : vector<16xi1>
          %sub3A_177 = vector.broadcast %mul3A_50 : i32 to vector<16xi32>
          %sub3A_178 = arith.subi %get3A_161, %sub3A_177 : vector<16xi32>
          %jit3A_179 = arith.constant 0 : i32
          %broadcast_in_dim3A_180 = vector.broadcast %jit3A_179 : i32 to vector<16xi32>
          %select_n3A_181 = arith.select %and3A_176, %sub3A_178, %broadcast_in_dim3A_180 : vector<16xi1>, vector<16xi32>
          tpu.vector_store_idx %arg10[%select_n3A_181], %get3A_163 masked %and3A_176 : memref<38400xf32, #tpu.memory_space<vmem>>[vector<16xi32>], vector<16xf32>, vector<16xi1>
          %broadcast_in_dim3A_182 = vector.broadcast %squeeze3A : f32 to vector<16xf32>
          %select_n3A_183 = arith.select %and3A_176, %get3A_163, %broadcast_in_dim3A_182 : vector<16xi1>, vector<16xf32>
          %min3A_184 = arith.minimumf %while3A_157, %select_n3A_183 : vector<16xf32>
          scf.yield %min3A_184 : vector<16xf32>
        }
        %while3A_154 = arith.constant 1 : i32
        %while3A_155 = scf.for %while3A_156 = %while3A_151 to %while3A_147 step %while3A_154 iter_args(%while3A_157 = %while3A_153) -> (vector<16xf32>)  : i32 {
          %mul3A_158 = arith.muli %while3A_156, %while3A_143 : i32
          %add3A_159 = arith.addi %while3A_144, %mul3A_158 : i32
          %get3A_160 = arith.index_cast %add3A_159 : i32 to index
          %get3A_161 = tpu.vector_load %arg8[%get3A_160] {strides = array<i32>} : memref<8208xi32, #tpu.memory_space<vmem>>, vector<16xi32>,
          %get3A_162 = arith.index_cast %add3A_159 : i32 to index
          %get3A_163 = tpu.vector_load %arg9[%get3A_162] {strides = array<i32>} : memref<8208xf32, #tpu.memory_space<vmem>>, vector<16xf32>,
          %add3A_164 = arith.constant 1 : i32
          %add3A_165 = arith.addi %add3A_159, %add3A_164 : i32
          %add3A_166 = vector.broadcast %add3A_165 : i32 to vector<16xi32>
          %add3A_167 = arith.addi %iota3A, %add3A_166 : vector<16xi32>
          %gather3A_168 = tpu.vector_load_idx %arg8[%add3A_167] : memref<8208xi32, #tpu.memory_space<vmem>>[vector<16xi32>], vector<16xi32>,
          %add3A_169 = arith.addi %multiple_of3A_124, %add3A_159 : i32
          %add3A_170 = vector.broadcast %add3A_169 : i32 to vector<16xi32>
          %add3A_171 = arith.addi %add3A_170, %iota3A : vector<16xi32>
          %ge3A = vector.broadcast %reduce_min3A_36 : i32 to vector<16xi32>
          %ge3A_172 = arith.cmpi sge, %add3A_171, %ge3A : vector<16xi32>
          %lt3A = vector.broadcast %reduce_min3A_48 : i32 to vector<16xi32>
          %lt3A_173 = arith.cmpi slt, %add3A_171, %lt3A : vector<16xi32>
          %and3A_174 = arith.andi %ge3A_172, %lt3A_173 : vector<16xi1>
          %ne3A_175 = arith.cmpi ne, %get3A_161, %gather3A_168 : vector<16xi32>
          %and3A_176 = arith.andi %and3A_174, %ne3A_175 : vector<16xi1>
          %sub3A_177 = vector.broadcast %mul3A_50 : i32 to vector<16xi32>
          %sub3A_178 = arith.subi %get3A_161, %sub3A_177 : vector<16xi32>
          %jit3A_179 = arith.constant 0 : i32
          %broadcast_in_dim3A_180 = vector.broadcast %jit3A_179 : i32 to vector<16xi32>
          %select_n3A_181 = arith.select %and3A_176, %sub3A_178, %broadcast_in_dim3A_180 : vector<16xi1>, vector<16xi32>
          tpu.vector_store_idx %arg10[%select_n3A_181], %get3A_163 masked %and3A_176 : memref<38400xf32, #tpu.memory_space<vmem>>[vector<16xi32>], vector<16xf32>, vector<16xi1>
          %broadcast_in_dim3A_182 = vector.broadcast %squeeze3A : f32 to vector<16xf32>
          %select_n3A_183 = arith.select %and3A_176, %get3A_163, %broadcast_in_dim3A_182 : vector<16xi1>, vector<16xf32>
          %min3A_184 = arith.minimumf %while3A_157, %select_n3A_183 : vector<16xf32>
          scf.yield %min3A_184 : vector<16xf32>
        }
        scf.yield %while3A_155 : vector<16xf32>
      }
      %while3A_82 = arith.constant 1 : i32
      %while3A_83 = scf.for %while3A_119 = %while3A_79 to %while3A_75 step %while3A_82 iter_args(%while3A_120 = %while3A_81) -> (vector<16xf32>)  : i32 {
        %mul3A_121 = arith.constant 8192 : i32
        %mul3A_122 = arith.muli %while3A_119, %mul3A_121 : i32
        %add3A_123 = arith.addi %and3A_51, %mul3A_122 : i32
        %multiple_of3A_124 = tpu.assume_multiple %add3A_123, 8 : i32
        %dma_start3A_125 = tpu.memref_slice %arg2[%multiple_of3A_124] : memref<2008224xi32, #tpu.memory_space<hbm>> -> memref<8208xi32, #tpu.memory_space<hbm>>
        %dma_start3A_126 = tpu.memref_slice %arg2[%multiple_of3A_124] : memref<2008224xi32, #tpu.memory_space<hbm>> -> memref<8208xi32, #tpu.memory_space<hbm>>
        tpu.enqueue_dma source(%dma_start3A_126 : memref<8208xi32, #tpu.memory_space<hbm>>) target(%arg8 : memref<8208xi32, #tpu.memory_space<vmem>>) target_semaphore(%arg15 : memref<!tpu.dma_semaphore, #tpu.memory_space<semaphore_mem>>)
        %dma_start3A_127 = tpu.memref_slice %arg3[%multiple_of3A_124] : memref<2008224xf32, #tpu.memory_space<hbm>> -> memref<8208xf32, #tpu.memory_space<hbm>>
        %dma_start3A_128 = tpu.memref_slice %arg3[%multiple_of3A_124] : memref<2008224xf32, #tpu.memory_space<hbm>> -> memref<8208xf32, #tpu.memory_space<hbm>>
        tpu.enqueue_dma source(%dma_start3A_128 : memref<8208xf32, #tpu.memory_space<hbm>>) target(%arg9 : memref<8208xf32, #tpu.memory_space<vmem>>) target_semaphore(%arg16 : memref<!tpu.dma_semaphore, #tpu.memory_space<semaphore_mem>>)
        %dma_wait3A_129 = tpu.memref_slice %arg2[%multiple_of3A_124] : memref<2008224xi32, #tpu.memory_space<hbm>> -> memref<8208xi32, #tpu.memory_space<hbm>>
        %dma_wait3A_130 = tpu.memref_slice %arg2[%multiple_of3A_124] : memref<2008224xi32, #tpu.memory_space<hbm>> -> memref<8208xi32, #tpu.memory_space<hbm>>
        tpu.wait_dma2 semaphore(%arg15 : memref<!tpu.dma_semaphore, #tpu.memory_space<semaphore_mem>>) src(%dma_wait3A_130 : memref<8208xi32, #tpu.memory_space<hbm>>) dst(%arg8 : memref<8208xi32, #tpu.memory_space<vmem>>)
        %dma_wait3A_131 = tpu.memref_slice %arg3[%multiple_of3A_124] : memref<2008224xf32, #tpu.memory_space<hbm>> -> memref<8208xf32, #tpu.memory_space<hbm>>
        %dma_wait3A_132 = tpu.memref_slice %arg3[%multiple_of3A_124] : memref<2008224xf32, #tpu.memory_space<hbm>> -> memref<8208xf32, #tpu.memory_space<hbm>>
        tpu.wait_dma2 semaphore(%arg16 : memref<!tpu.dma_semaphore, #tpu.memory_space<semaphore_mem>>) src(%dma_wait3A_132 : memref<8208xf32, #tpu.memory_space<hbm>>) dst(%arg9 : memref<8208xf32, #tpu.memory_space<vmem>>)
        %sub3A_133 = arith.subi %reduce_min3A_48, %multiple_of3A_124 : i32
        %min3A = arith.constant 8192 : i32
        %min3A_134 = arith.minsi %sub3A_133, %min3A : i32
        %sub3A_135 = arith.constant 0 : i32
        %sub3A_136 = arith.subi %min3A_134, %sub3A_135 : i32
        %sub3A_137 = arith.constant 16 : i32
        %sub3A_138 = arith.constant 1 : i32
        %sub3A_139 = arith.subi %sub3A_137, %sub3A_138 : i32
        %add3A_140 = arith.addi %sub3A_136, %sub3A_139 : i32
        %div3A_141 = arith.constant 16 : i32
        %div3A_142 = arith.divsi %add3A_140, %div3A_141 : i32
        %while3A_143 = arith.constant 16 : i32
        %while3A_144 = arith.constant 0 : i32
        %while3A_145 = arith.constant 0 : i32
        %while3A_146 = arith.subi %div3A_142, %while3A_145 : i32
        %while3A_147 = arith.addi %while3A_145, %while3A_146 : i32
        %while3A_148 = arith.constant 1 : i32
        %while3A_149 = arith.divsi %while3A_146, %while3A_148 : i32
        %while3A_150 = arith.muli %while3A_149, %while3A_148 : i32
        %while3A_151 = arith.addi %while3A_145, %while3A_150 : i32
        %while3A_152 = arith.constant 1 : i32
        %while3A_153 = scf.for %while3A_156 = %while3A_145 to %while3A_151 step %while3A_152 iter_args(%while3A_157 = %while3A_120) -> (vector<16xf32>)  : i32 {
          %mul3A_158 = arith.muli %while3A_156, %while3A_143 : i32
          %add3A_159 = arith.addi %while3A_144, %mul3A_158 : i32
          %get3A_160 = arith.index_cast %add3A_159 : i32 to index
          %get3A_161 = tpu.vector_load %arg8[%get3A_160] {strides = array<i32>} : memref<8208xi32, #tpu.memory_space<vmem>>, vector<16xi32>,
          %get3A_162 = arith.index_cast %add3A_159 : i32 to index
          %get3A_163 = tpu.vector_load %arg9[%get3A_162] {strides = array<i32>} : memref<8208xf32, #tpu.memory_space<vmem>>, vector<16xf32>,
          %add3A_164 = arith.constant 1 : i32
          %add3A_165 = arith.addi %add3A_159, %add3A_164 : i32
          %add3A_166 = vector.broadcast %add3A_165 : i32 to vector<16xi32>
          %add3A_167 = arith.addi %iota3A, %add3A_166 : vector<16xi32>
          %gather3A_168 = tpu.vector_load_idx %arg8[%add3A_167] : memref<8208xi32, #tpu.memory_space<vmem>>[vector<16xi32>], vector<16xi32>,
          %add3A_169 = arith.addi %multiple_of3A_124, %add3A_159 : i32
          %add3A_170 = vector.broadcast %add3A_169 : i32 to vector<16xi32>
          %add3A_171 = arith.addi %add3A_170, %iota3A : vector<16xi32>
          %ge3A = vector.broadcast %reduce_min3A_36 : i32 to vector<16xi32>
          %ge3A_172 = arith.cmpi sge, %add3A_171, %ge3A : vector<16xi32>
          %lt3A = vector.broadcast %reduce_min3A_48 : i32 to vector<16xi32>
          %lt3A_173 = arith.cmpi slt, %add3A_171, %lt3A : vector<16xi32>
          %and3A_174 = arith.andi %ge3A_172, %lt3A_173 : vector<16xi1>
          %ne3A_175 = arith.cmpi ne, %get3A_161, %gather3A_168 : vector<16xi32>
          %and3A_176 = arith.andi %and3A_174, %ne3A_175 : vector<16xi1>
          %sub3A_177 = vector.broadcast %mul3A_50 : i32 to vector<16xi32>
          %sub3A_178 = arith.subi %get3A_161, %sub3A_177 : vector<16xi32>
          %jit3A_179 = arith.constant 0 : i32
          %broadcast_in_dim3A_180 = vector.broadcast %jit3A_179 : i32 to vector<16xi32>
          %select_n3A_181 = arith.select %and3A_176, %sub3A_178, %broadcast_in_dim3A_180 : vector<16xi1>, vector<16xi32>
          tpu.vector_store_idx %arg10[%select_n3A_181], %get3A_163 masked %and3A_176 : memref<38400xf32, #tpu.memory_space<vmem>>[vector<16xi32>], vector<16xf32>, vector<16xi1>
          %broadcast_in_dim3A_182 = vector.broadcast %squeeze3A : f32 to vector<16xf32>
          %select_n3A_183 = arith.select %and3A_176, %get3A_163, %broadcast_in_dim3A_182 : vector<16xi1>, vector<16xf32>
          %min3A_184 = arith.minimumf %while3A_157, %select_n3A_183 : vector<16xf32>
          scf.yield %min3A_184 : vector<16xf32>
        }
        %while3A_154 = arith.constant 1 : i32
        %while3A_155 = scf.for %while3A_156 = %while3A_151 to %while3A_147 step %while3A_154 iter_args(%while3A_157 = %while3A_153) -> (vector<16xf32>)  : i32 {
          %mul3A_158 = arith.muli %while3A_156, %while3A_143 : i32
          %add3A_159 = arith.addi %while3A_144, %mul3A_158 : i32
          %get3A_160 = arith.index_cast %add3A_159 : i32 to index
          %get3A_161 = tpu.vector_load %arg8[%get3A_160] {strides = array<i32>} : memref<8208xi32, #tpu.memory_space<vmem>>, vector<16xi32>,
          %get3A_162 = arith.index_cast %add3A_159 : i32 to index
          %get3A_163 = tpu.vector_load %arg9[%get3A_162] {strides = array<i32>} : memref<8208xf32, #tpu.memory_space<vmem>>, vector<16xf32>,
          %add3A_164 = arith.constant 1 : i32
          %add3A_165 = arith.addi %add3A_159, %add3A_164 : i32
          %add3A_166 = vector.broadcast %add3A_165 : i32 to vector<16xi32>
          %add3A_167 = arith.addi %iota3A, %add3A_166 : vector<16xi32>
          %gather3A_168 = tpu.vector_load_idx %arg8[%add3A_167] : memref<8208xi32, #tpu.memory_space<vmem>>[vector<16xi32>], vector<16xi32>,
          %add3A_169 = arith.addi %multiple_of3A_124, %add3A_159 : i32
          %add3A_170 = vector.broadcast %add3A_169 : i32 to vector<16xi32>
          %add3A_171 = arith.addi %add3A_170, %iota3A : vector<16xi32>
          %ge3A = vector.broadcast %reduce_min3A_36 : i32 to vector<16xi32>
          %ge3A_172 = arith.cmpi sge, %add3A_171, %ge3A : vector<16xi32>
          %lt3A = vector.broadcast %reduce_min3A_48 : i32 to vector<16xi32>
          %lt3A_173 = arith.cmpi slt, %add3A_171, %lt3A : vector<16xi32>
          %and3A_174 = arith.andi %ge3A_172, %lt3A_173 : vector<16xi1>
          %ne3A_175 = arith.cmpi ne, %get3A_161, %gather3A_168 : vector<16xi32>
          %and3A_176 = arith.andi %and3A_174, %ne3A_175 : vector<16xi1>
          %sub3A_177 = vector.broadcast %mul3A_50 : i32 to vector<16xi32>
          %sub3A_178 = arith.subi %get3A_161, %sub3A_177 : vector<16xi32>
          %jit3A_179 = arith.constant 0 : i32
          %broadcast_in_dim3A_180 = vector.broadcast %jit3A_179 : i32 to vector<16xi32>
          %select_n3A_181 = arith.select %and3A_176, %sub3A_178, %broadcast_in_dim3A_180 : vector<16xi1>, vector<16xi32>
          tpu.vector_store_idx %arg10[%select_n3A_181], %get3A_163 masked %and3A_176 : memref<38400xf32, #tpu.memory_space<vmem>>[vector<16xi32>], vector<16xf32>, vector<16xi1>
          %broadcast_in_dim3A_182 = vector.broadcast %squeeze3A : f32 to vector<16xf32>
          %select_n3A_183 = arith.select %and3A_176, %get3A_163, %broadcast_in_dim3A_182 : vector<16xi1>, vector<16xf32>
          %min3A_184 = arith.minimumf %while3A_157, %select_n3A_183 : vector<16xf32>
          scf.yield %min3A_184 : vector<16xf32>
        }
        scf.yield %while3A_155 : vector<16xf32>
      }
      %reduce_min3A_84 = arith.constant true
      %reduce_min3A_85 = vector.broadcast %reduce_min3A_84 : i1 to vector<16xi1>
      %reduce_min3A_86 = tpu.scan <min>, %while3A_83 masked %reduce_min3A_85 : vector<16xf32>, vector<16xi1> -> vector<16xf32>
      %reduce_min3A_87 = vector.extract %reduce_min3A_86[15] : f32 from vector<16xf32>
      %broadcast_in_dim3A_88 = vector.broadcast %reduce_min3A_87 : f32 to vector<16xf32>
      %swap3A = arith.constant 0 : index
      %swap3A_89 = tpu.vector_load %arg12[%swap3A] {strides = array<i32>} : memref<16xf32, #tpu.memory_space<vmem>>, vector<16xf32>,
      tpu.vector_store %arg12[%swap3A], %broadcast_in_dim3A_88 {strides = array<i32>} : memref<16xf32, #tpu.memory_space<vmem>>, vector<16xf32>,
      %mul3A_90 = arith.constant 16 : i32
      %mul3A_91 = arith.muli %arg1, %mul3A_90 : i32
      %multiple_of3A_92 = tpu.assume_multiple %mul3A_91, 8 : i32
      "tpu.region"() ({
        %run_scoped3A = tpu.sem_alloc : memref<!tpu.dma_semaphore, #tpu.memory_space<semaphore_mem>>
        %dma_start3A_119 = tpu.memref_slice %arg14[%multiple_of3A_92] : memref<256xf32, #tpu.memory_space<vmem_shared>> -> memref<16xf32, #tpu.memory_space<vmem_shared>>
        %dma_start3A_120 = tpu.memref_slice %arg14[%multiple_of3A_92] : memref<256xf32, #tpu.memory_space<vmem_shared>> -> memref<16xf32, #tpu.memory_space<vmem_shared>>
        tpu.enqueue_dma source(%arg12 : memref<16xf32, #tpu.memory_space<vmem>>) target(%dma_start3A_120 : memref<16xf32, #tpu.memory_space<vmem_shared>>) target_semaphore(%run_scoped3A : memref<!tpu.dma_semaphore, #tpu.memory_space<semaphore_mem>>)
        %dma_wait3A_121 = tpu.memref_slice %arg14[%multiple_of3A_92] : memref<256xf32, #tpu.memory_space<vmem_shared>> -> memref<16xf32, #tpu.memory_space<vmem_shared>>
        %dma_wait3A_122 = tpu.memref_slice %arg14[%multiple_of3A_92] : memref<256xf32, #tpu.memory_space<vmem_shared>> -> memref<16xf32, #tpu.memory_space<vmem_shared>>
        tpu.wait_dma2 semaphore(%run_scoped3A : memref<!tpu.dma_semaphore, #tpu.memory_space<semaphore_mem>>) src(%arg12 : memref<16xf32, #tpu.memory_space<vmem>>) dst(%dma_wait3A_122 : memref<16xf32, #tpu.memory_space<vmem_shared>>)
        tpu.yield
      }) : () -> ()
      %barrier3A = arith.constant 0 : index
      tpu.barrier barrier_id(%barrier3A)
      "tpu.region"() ({
        %run_scoped3A = tpu.sem_alloc : memref<!tpu.dma_semaphore, #tpu.memory_space<semaphore_mem>>
        tpu.enqueue_dma source(%arg14 : memref<256xf32, #tpu.memory_space<vmem_shared>>) target(%arg13 : memref<256xf32, #tpu.memory_space<vmem>>) target_semaphore(%run_scoped3A : memref<!tpu.dma_semaphore, #tpu.memory_space<semaphore_mem>>)
        tpu.wait_dma2 semaphore(%run_scoped3A : memref<!tpu.dma_semaphore, #tpu.memory_space<semaphore_mem>>) src(%arg14 : memref<256xf32, #tpu.memory_space<vmem_shared>>) dst(%arg13 : memref<256xf32, #tpu.memory_space<vmem>>)
        tpu.yield
      }) : () -> ()
      %barrier3A_93 = arith.constant 0 : index
      tpu.barrier barrier_id(%barrier3A_93)
      %broadcast_in_dim3A_94 = vector.broadcast %squeeze3A : f32 to vector<16xf32>
      %scan3A_95 = arith.constant 0 : i32
      %scan3A_96 = arith.constant 16 : i32
      %scan3A_97 = arith.addi %scan3A_95, %scan3A_96 : i32
      %scan3A_98 = arith.constant 1 : i32
      %scan3A_99 = scf.for %scan3A_119 = %scan3A_95 to %scan3A_97 step %scan3A_98 iter_args(%scan3A_120 = %broadcast_in_dim3A_94) -> (vector<16xf32>)  : i32 {
        %mul3A_121 = arith.constant 16 : i32
        %mul3A_122 = arith.muli %scan3A_119, %mul3A_121 : i32
        %get3A_123 = arith.index_cast %mul3A_122 : i32 to index
        %get3A_124 = tpu.vector_load %arg13[%get3A_123] {strides = array<i32>} : memref<256xf32, #tpu.memory_space<vmem>>, vector<16xf32>,
        %min3A = arith.minimumf %scan3A_120, %get3A_124 : vector<16xf32>
        scf.yield %min3A : vector<16xf32>
      }
      %scan3A_100 = arith.constant 16 : i32
      %reduce_min3A_101 = arith.constant true
      %reduce_min3A_102 = vector.broadcast %reduce_min3A_101 : i1 to vector<16xi1>
      %reduce_min3A_103 = tpu.scan <min>, %scan3A_99 masked %reduce_min3A_102 : vector<16xf32>, vector<16xi1> -> vector<16xf32>
      %reduce_min3A_104 = vector.extract %reduce_min3A_103[15] : f32 from vector<16xf32>
      %gt3A = arith.constant 0 : i32
      %gt3A_105 = arith.cmpi sgt, %add3A_23, %gt3A : i32
      %convert_element_type3A = arith.extui %gt3A_105 : i1 to i32
      %cond3A = arith.constant 0 : i32
      %cond3A_106 = arith.cmpi ne, %convert_element_type3A, %cond3A : i32
      scf.if %cond3A_106 {
        %sub3A_119 = arith.constant 1 : i32
        %sub3A_120 = arith.subi %add3A_26, %sub3A_119 : i32
        %mul3A_121 = arith.constant 614400 : i32
        %mul3A_122 = arith.muli %sub3A_120, %mul3A_121 : i32
        %mul3A_123 = arith.constant 38400 : i32
        %mul3A_124 = arith.muli %arg1, %mul3A_123 : i32
        %add3A_125 = arith.addi %mul3A_122, %mul3A_124 : i32
        %multiple_of3A_126 = tpu.assume_multiple %add3A_125, 8 : i32
        %dma_wait3A_127 = tpu.memref_slice %arg6[%multiple_of3A_126] : memref<19660800xf32, #tpu.memory_space<hbm>> -> memref<38400xf32, #tpu.memory_space<hbm>>
        %dma_wait3A_128 = tpu.memref_slice %arg6[%multiple_of3A_126] : memref<19660800xf32, #tpu.memory_space<hbm>> -> memref<38400xf32, #tpu.memory_space<hbm>>
        tpu.wait_dma2 semaphore(%arg17 : memref<!tpu.dma_semaphore, #tpu.memory_space<semaphore_mem>>) src(%arg11 : memref<38400xf32, #tpu.memory_space<vmem>>) dst(%dma_wait3A_128 : memref<38400xf32, #tpu.memory_space<hbm>>)
      } else {
      }
      %scan3A_107 = arith.constant 0 : i32
      %scan3A_108 = arith.constant 2400 : i32
      %scan3A_109 = arith.addi %scan3A_107, %scan3A_108 : i32
      %scan3A_110 = arith.constant 8 : i32
      scf.for %scan3A_119 = %scan3A_107 to %scan3A_109 step %scan3A_110  : i32 {
        %mul3A_120 = arith.constant 16 : i32
        %mul3A_121 = arith.muli %scan3A_119, %mul3A_120 : i32
        %add3A_122 = arith.constant 0 : i32
        %add3A_123 = arith.addi %add3A_122, %mul3A_121 : i32
        %get3A_124 = arith.index_cast %add3A_123 : i32 to index
        %get3A_125 = tpu.vector_load %arg10[%get3A_124] {strides = array<i32>} : memref<38400xf32, #tpu.memory_space<vmem>>, vector<16xf32>,
        %sub3A_126 = vector.broadcast %reduce_min3A_104 : f32 to vector<16xf32>
        %sub3A_127 = arith.subf %get3A_125, %sub3A_126 : vector<16xf32>
        %max3A = arith.constant 0.000000e+00 : f32
        %max3A_128 = vector.broadcast %max3A : f32 to vector<16xf32>
        %max3A_129 = arith.maximumf %sub3A_127, %max3A_128 : vector<16xf32>
        %swap3A_130 = arith.index_cast %add3A_123 : i32 to index
        %swap3A_131 = tpu.vector_load %arg11[%swap3A_130] {strides = array<i32>} : memref<38400xf32, #tpu.memory_space<vmem>>, vector<16xf32>,
        tpu.vector_store %arg11[%swap3A_130], %max3A_129 {strides = array<i32>} : memref<38400xf32, #tpu.memory_space<vmem>>, vector<16xf32>,
        %broadcast_in_dim3A_132 = arith.constant 0.000000e+00 : f32
        %broadcast_in_dim3A_133 = vector.broadcast %broadcast_in_dim3A_132 : f32 to vector<16xf32>
        %swap3A_134 = arith.index_cast %add3A_123 : i32 to index
        %swap3A_135 = tpu.vector_load %arg10[%swap3A_134] {strides = array<i32>} : memref<38400xf32, #tpu.memory_space<vmem>>, vector<16xf32>,
        tpu.vector_store %arg10[%swap3A_134], %broadcast_in_dim3A_133 {strides = array<i32>} : memref<38400xf32, #tpu.memory_space<vmem>>, vector<16xf32>,
        %scan3A_136 = arith.constant 1 : i32
        %scan3A_137 = arith.addi %scan3A_119, %scan3A_136 : i32
        %mul3A_138 = arith.constant 16 : i32
        %mul3A_139 = arith.muli %scan3A_137, %mul3A_138 : i32
        %add3A_140 = arith.constant 0 : i32
        %add3A_141 = arith.addi %add3A_140, %mul3A_139 : i32
        %get3A_142 = arith.index_cast %add3A_141 : i32 to index
        %get3A_143 = tpu.vector_load %arg10[%get3A_142] {strides = array<i32>} : memref<38400xf32, #tpu.memory_space<vmem>>, vector<16xf32>,
        %sub3A_144 = vector.broadcast %reduce_min3A_104 : f32 to vector<16xf32>
        %sub3A_145 = arith.subf %get3A_143, %sub3A_144 : vector<16xf32>
        %max3A_146 = arith.constant 0.000000e+00 : f32
        %max3A_147 = vector.broadcast %max3A_146 : f32 to vector<16xf32>
        %max3A_148 = arith.maximumf %sub3A_145, %max3A_147 : vector<16xf32>
        %swap3A_149 = arith.index_cast %add3A_141 : i32 to index
        %swap3A_150 = tpu.vector_load %arg11[%swap3A_149] {strides = array<i32>} : memref<38400xf32, #tpu.memory_space<vmem>>, vector<16xf32>,
        tpu.vector_store %arg11[%swap3A_149], %max3A_148 {strides = array<i32>} : memref<38400xf32, #tpu.memory_space<vmem>>, vector<16xf32>,
        %broadcast_in_dim3A_151 = arith.constant 0.000000e+00 : f32
        %broadcast_in_dim3A_152 = vector.broadcast %broadcast_in_dim3A_151 : f32 to vector<16xf32>
        %swap3A_153 = arith.index_cast %add3A_141 : i32 to index
        %swap3A_154 = tpu.vector_load %arg10[%swap3A_153] {strides = array<i32>} : memref<38400xf32, #tpu.memory_space<vmem>>, vector<16xf32>,
        tpu.vector_store %arg10[%swap3A_153], %broadcast_in_dim3A_152 {strides = array<i32>} : memref<38400xf32, #tpu.memory_space<vmem>>, vector<16xf32>,
        %scan3A_155 = arith.constant 2 : i32
        %scan3A_156 = arith.addi %scan3A_119, %scan3A_155 : i32
        %mul3A_157 = arith.constant 16 : i32
        %mul3A_158 = arith.muli %scan3A_156, %mul3A_157 : i32
        %add3A_159 = arith.constant 0 : i32
        %add3A_160 = arith.addi %add3A_159, %mul3A_158 : i32
        %get3A_161 = arith.index_cast %add3A_160 : i32 to index
        %get3A_162 = tpu.vector_load %arg10[%get3A_161] {strides = array<i32>} : memref<38400xf32, #tpu.memory_space<vmem>>, vector<16xf32>,
        %sub3A_163 = vector.broadcast %reduce_min3A_104 : f32 to vector<16xf32>
        %sub3A_164 = arith.subf %get3A_162, %sub3A_163 : vector<16xf32>
        %max3A_165 = arith.constant 0.000000e+00 : f32
        %max3A_166 = vector.broadcast %max3A_165 : f32 to vector<16xf32>
        %max3A_167 = arith.maximumf %sub3A_164, %max3A_166 : vector<16xf32>
        %swap3A_168 = arith.index_cast %add3A_160 : i32 to index
        %swap3A_169 = tpu.vector_load %arg11[%swap3A_168] {strides = array<i32>} : memref<38400xf32, #tpu.memory_space<vmem>>, vector<16xf32>,
        tpu.vector_store %arg11[%swap3A_168], %max3A_167 {strides = array<i32>} : memref<38400xf32, #tpu.memory_space<vmem>>, vector<16xf32>,
        %broadcast_in_dim3A_170 = arith.constant 0.000000e+00 : f32
        %broadcast_in_dim3A_171 = vector.broadcast %broadcast_in_dim3A_170 : f32 to vector<16xf32>
        %swap3A_172 = arith.index_cast %add3A_160 : i32 to index
        %swap3A_173 = tpu.vector_load %arg10[%swap3A_172] {strides = array<i32>} : memref<38400xf32, #tpu.memory_space<vmem>>, vector<16xf32>,
        tpu.vector_store %arg10[%swap3A_172], %broadcast_in_dim3A_171 {strides = array<i32>} : memref<38400xf32, #tpu.memory_space<vmem>>, vector<16xf32>,
        %scan3A_174 = arith.constant 3 : i32
        %scan3A_175 = arith.addi %scan3A_119, %scan3A_174 : i32
        %mul3A_176 = arith.constant 16 : i32
        %mul3A_177 = arith.muli %scan3A_175, %mul3A_176 : i32
        %add3A_178 = arith.constant 0 : i32
        %add3A_179 = arith.addi %add3A_178, %mul3A_177 : i32
        %get3A_180 = arith.index_cast %add3A_179 : i32 to index
        %get3A_181 = tpu.vector_load %arg10[%get3A_180] {strides = array<i32>} : memref<38400xf32, #tpu.memory_space<vmem>>, vector<16xf32>,
        %sub3A_182 = vector.broadcast %reduce_min3A_104 : f32 to vector<16xf32>
        %sub3A_183 = arith.subf %get3A_181, %sub3A_182 : vector<16xf32>
        %max3A_184 = arith.constant 0.000000e+00 : f32
        %max3A_185 = vector.broadcast %max3A_184 : f32 to vector<16xf32>
        %max3A_186 = arith.maximumf %sub3A_183, %max3A_185 : vector<16xf32>
        %swap3A_187 = arith.index_cast %add3A_179 : i32 to index
        %swap3A_188 = tpu.vector_load %arg11[%swap3A_187] {strides = array<i32>} : memref<38400xf32, #tpu.memory_space<vmem>>, vector<16xf32>,
        tpu.vector_store %arg11[%swap3A_187], %max3A_186 {strides = array<i32>} : memref<38400xf32, #tpu.memory_space<vmem>>, vector<16xf32>,
        %broadcast_in_dim3A_189 = arith.constant 0.000000e+00 : f32
        %broadcast_in_dim3A_190 = vector.broadcast %broadcast_in_dim3A_189 : f32 to vector<16xf32>
        %swap3A_191 = arith.index_cast %add3A_179 : i32 to index
        %swap3A_192 = tpu.vector_load %arg10[%swap3A_191] {strides = array<i32>} : memref<38400xf32, #tpu.memory_space<vmem>>, vector<16xf32>,
        tpu.vector_store %arg10[%swap3A_191], %broadcast_in_dim3A_190 {strides = array<i32>} : memref<38400xf32, #tpu.memory_space<vmem>>, vector<16xf32>,
        %scan3A_193 = arith.constant 4 : i32
        %scan3A_194 = arith.addi %scan3A_119, %scan3A_193 : i32
        %mul3A_195 = arith.constant 16 : i32
        %mul3A_196 = arith.muli %scan3A_194, %mul3A_195 : i32
        %add3A_197 = arith.constant 0 : i32
        %add3A_198 = arith.addi %add3A_197, %mul3A_196 : i32
        %get3A_199 = arith.index_cast %add3A_198 : i32 to index
        %get3A_200 = tpu.vector_load %arg10[%get3A_199] {strides = array<i32>} : memref<38400xf32, #tpu.memory_space<vmem>>, vector<16xf32>,
        %sub3A_201 = vector.broadcast %reduce_min3A_104 : f32 to vector<16xf32>
        %sub3A_202 = arith.subf %get3A_200, %sub3A_201 : vector<16xf32>
        %max3A_203 = arith.constant 0.000000e+00 : f32
        %max3A_204 = vector.broadcast %max3A_203 : f32 to vector<16xf32>
        %max3A_205 = arith.maximumf %sub3A_202, %max3A_204 : vector<16xf32>
        %swap3A_206 = arith.index_cast %add3A_198 : i32 to index
        %swap3A_207 = tpu.vector_load %arg11[%swap3A_206] {strides = array<i32>} : memref<38400xf32, #tpu.memory_space<vmem>>, vector<16xf32>,
        tpu.vector_store %arg11[%swap3A_206], %max3A_205 {strides = array<i32>} : memref<38400xf32, #tpu.memory_space<vmem>>, vector<16xf32>,
        %broadcast_in_dim3A_208 = arith.constant 0.000000e+00 : f32
        %broadcast_in_dim3A_209 = vector.broadcast %broadcast_in_dim3A_208 : f32 to vector<16xf32>
        %swap3A_210 = arith.index_cast %add3A_198 : i32 to index
        %swap3A_211 = tpu.vector_load %arg10[%swap3A_210] {strides = array<i32>} : memref<38400xf32, #tpu.memory_space<vmem>>, vector<16xf32>,
        tpu.vector_store %arg10[%swap3A_210], %broadcast_in_dim3A_209 {strides = array<i32>} : memref<38400xf32, #tpu.memory_space<vmem>>, vector<16xf32>,
        %scan3A_212 = arith.constant 5 : i32
        %scan3A_213 = arith.addi %scan3A_119, %scan3A_212 : i32
        %mul3A_214 = arith.constant 16 : i32
        %mul3A_215 = arith.muli %scan3A_213, %mul3A_214 : i32
        %add3A_216 = arith.constant 0 : i32
        %add3A_217 = arith.addi %add3A_216, %mul3A_215 : i32
        %get3A_218 = arith.index_cast %add3A_217 : i32 to index
        %get3A_219 = tpu.vector_load %arg10[%get3A_218] {strides = array<i32>} : memref<38400xf32, #tpu.memory_space<vmem>>, vector<16xf32>,
        %sub3A_220 = vector.broadcast %reduce_min3A_104 : f32 to vector<16xf32>
        %sub3A_221 = arith.subf %get3A_219, %sub3A_220 : vector<16xf32>
        %max3A_222 = arith.constant 0.000000e+00 : f32
        %max3A_223 = vector.broadcast %max3A_222 : f32 to vector<16xf32>
        %max3A_224 = arith.maximumf %sub3A_221, %max3A_223 : vector<16xf32>
        %swap3A_225 = arith.index_cast %add3A_217 : i32 to index
        %swap3A_226 = tpu.vector_load %arg11[%swap3A_225] {strides = array<i32>} : memref<38400xf32, #tpu.memory_space<vmem>>, vector<16xf32>,
        tpu.vector_store %arg11[%swap3A_225], %max3A_224 {strides = array<i32>} : memref<38400xf32, #tpu.memory_space<vmem>>, vector<16xf32>,
        %broadcast_in_dim3A_227 = arith.constant 0.000000e+00 : f32
        %broadcast_in_dim3A_228 = vector.broadcast %broadcast_in_dim3A_227 : f32 to vector<16xf32>
        %swap3A_229 = arith.index_cast %add3A_217 : i32 to index
        %swap3A_230 = tpu.vector_load %arg10[%swap3A_229] {strides = array<i32>} : memref<38400xf32, #tpu.memory_space<vmem>>, vector<16xf32>,
        tpu.vector_store %arg10[%swap3A_229], %broadcast_in_dim3A_228 {strides = array<i32>} : memref<38400xf32, #tpu.memory_space<vmem>>, vector<16xf32>,
        %scan3A_231 = arith.constant 6 : i32
        %scan3A_232 = arith.addi %scan3A_119, %scan3A_231 : i32
        %mul3A_233 = arith.constant 16 : i32
        %mul3A_234 = arith.muli %scan3A_232, %mul3A_233 : i32
        %add3A_235 = arith.constant 0 : i32
        %add3A_236 = arith.addi %add3A_235, %mul3A_234 : i32
        %get3A_237 = arith.index_cast %add3A_236 : i32 to index
        %get3A_238 = tpu.vector_load %arg10[%get3A_237] {strides = array<i32>} : memref<38400xf32, #tpu.memory_space<vmem>>, vector<16xf32>,
        %sub3A_239 = vector.broadcast %reduce_min3A_104 : f32 to vector<16xf32>
        %sub3A_240 = arith.subf %get3A_238, %sub3A_239 : vector<16xf32>
        %max3A_241 = arith.constant 0.000000e+00 : f32
        %max3A_242 = vector.broadcast %max3A_241 : f32 to vector<16xf32>
        %max3A_243 = arith.maximumf %sub3A_240, %max3A_242 : vector<16xf32>
        %swap3A_244 = arith.index_cast %add3A_236 : i32 to index
        %swap3A_245 = tpu.vector_load %arg11[%swap3A_244] {strides = array<i32>} : memref<38400xf32, #tpu.memory_space<vmem>>, vector<16xf32>,
        tpu.vector_store %arg11[%swap3A_244], %max3A_243 {strides = array<i32>} : memref<38400xf32, #tpu.memory_space<vmem>>, vector<16xf32>,
        %broadcast_in_dim3A_246 = arith.constant 0.000000e+00 : f32
        %broadcast_in_dim3A_247 = vector.broadcast %broadcast_in_dim3A_246 : f32 to vector<16xf32>
        %swap3A_248 = arith.index_cast %add3A_236 : i32 to index
        %swap3A_249 = tpu.vector_load %arg10[%swap3A_248] {strides = array<i32>} : memref<38400xf32, #tpu.memory_space<vmem>>, vector<16xf32>,
        tpu.vector_store %arg10[%swap3A_248], %broadcast_in_dim3A_247 {strides = array<i32>} : memref<38400xf32, #tpu.memory_space<vmem>>, vector<16xf32>,
        %scan3A_250 = arith.constant 7 : i32
        %scan3A_251 = arith.addi %scan3A_119, %scan3A_250 : i32
        %mul3A_252 = arith.constant 16 : i32
        %mul3A_253 = arith.muli %scan3A_251, %mul3A_252 : i32
        %add3A_254 = arith.constant 0 : i32
        %add3A_255 = arith.addi %add3A_254, %mul3A_253 : i32
        %get3A_256 = arith.index_cast %add3A_255 : i32 to index
        %get3A_257 = tpu.vector_load %arg10[%get3A_256] {strides = array<i32>} : memref<38400xf32, #tpu.memory_space<vmem>>, vector<16xf32>,
        %sub3A_258 = vector.broadcast %reduce_min3A_104 : f32 to vector<16xf32>
        %sub3A_259 = arith.subf %get3A_257, %sub3A_258 : vector<16xf32>
        %max3A_260 = arith.constant 0.000000e+00 : f32
        %max3A_261 = vector.broadcast %max3A_260 : f32 to vector<16xf32>
        %max3A_262 = arith.maximumf %sub3A_259, %max3A_261 : vector<16xf32>
        %swap3A_263 = arith.index_cast %add3A_255 : i32 to index
        %swap3A_264 = tpu.vector_load %arg11[%swap3A_263] {strides = array<i32>} : memref<38400xf32, #tpu.memory_space<vmem>>, vector<16xf32>,
        tpu.vector_store %arg11[%swap3A_263], %max3A_262 {strides = array<i32>} : memref<38400xf32, #tpu.memory_space<vmem>>, vector<16xf32>,
        %broadcast_in_dim3A_265 = arith.constant 0.000000e+00 : f32
        %broadcast_in_dim3A_266 = vector.broadcast %broadcast_in_dim3A_265 : f32 to vector<16xf32>
        %swap3A_267 = arith.index_cast %add3A_255 : i32 to index
        %swap3A_268 = tpu.vector_load %arg10[%swap3A_267] {strides = array<i32>} : memref<38400xf32, #tpu.memory_space<vmem>>, vector<16xf32>,
        tpu.vector_store %arg10[%swap3A_267], %broadcast_in_dim3A_266 {strides = array<i32>} : memref<38400xf32, #tpu.memory_space<vmem>>, vector<16xf32>,
      }
      %scan3A_111 = arith.constant 2400 : i32
      %mul3A_112 = arith.constant 614400 : i32
      %mul3A_113 = arith.muli %add3A_26, %mul3A_112 : i32
      %mul3A_114 = arith.constant 38400 : i32
      %mul3A_115 = arith.muli %arg1, %mul3A_114 : i32
      %add3A_116 = arith.addi %mul3A_113, %mul3A_115 : i32
      %multiple_of3A_117 = tpu.assume_multiple %add3A_116, 8 : i32
      %dma_start3A = tpu.memref_slice %arg6[%multiple_of3A_117] : memref<19660800xf32, #tpu.memory_space<hbm>> -> memref<38400xf32, #tpu.memory_space<hbm>>
      %dma_start3A_118 = tpu.memref_slice %arg6[%multiple_of3A_117] : memref<19660800xf32, #tpu.memory_space<hbm>> -> memref<38400xf32, #tpu.memory_space<hbm>>
      tpu.enqueue_dma source(%arg11 : memref<38400xf32, #tpu.memory_space<vmem>>) target(%dma_start3A_118 : memref<38400xf32, #tpu.memory_space<hbm>>) target_semaphore(%arg17 : memref<!tpu.dma_semaphore, #tpu.memory_space<semaphore_mem>>)
    }
    %scan3A_9 = arith.constant 16 : i32
    %mul3A = arith.constant 16 : i32
    %mul3A_10 = arith.muli %arg0, %mul3A : i32
    %add3A = arith.constant 16 : i32
    %add3A_11 = arith.addi %mul3A_10, %add3A : i32
    %sub3A = arith.constant 1 : i32
    %sub3A_12 = arith.subi %add3A_11, %sub3A : i32
    %mul3A_13 = arith.constant 614400 : i32
    %mul3A_14 = arith.muli %sub3A_12, %mul3A_13 : i32
    %mul3A_15 = arith.constant 38400 : i32
    %mul3A_16 = arith.muli %arg1, %mul3A_15 : i32
    %add3A_17 = arith.addi %mul3A_14, %mul3A_16 : i32
    %multiple_of3A = tpu.assume_multiple %add3A_17, 8 : i32
    %dma_wait3A = tpu.memref_slice %arg6[%multiple_of3A] : memref<19660800xf32, #tpu.memory_space<hbm>> -> memref<38400xf32, #tpu.memory_space<hbm>>
    %dma_wait3A_18 = tpu.memref_slice %arg6[%multiple_of3A] : memref<19660800xf32, #tpu.memory_space<hbm>> -> memref<38400xf32, #tpu.memory_space<hbm>>
    tpu.wait_dma2 semaphore(%arg17 : memref<!tpu.dma_semaphore, #tpu.memory_space<semaphore_mem>>) src(%arg11 : memref<38400xf32, #tpu.memory_space<vmem>>) dst(%dma_wait3A_18 : memref<38400xf32, #tpu.memory_space<hbm>>)
    return
  }
}

module attributes {stable_mosaic.version = 14 : i64} {
  func.func @body(%arg0: i32, %arg1: memref<5x8192xf32, #tpu.memory_space<vmem>>, %arg2: memref<8192xi32, #tpu.memory_space<vmem>>, %arg3: memref<8192xf32, #tpu.memory_space<vmem>>) attributes {dimension_semantics = [#tpu.dimension_semantics<arbitrary>], iteration_bounds = array<i64: 245>, scalar_prefetch = 0 : i64, scratch_operands = 0 : i64, tpu.core_type = #tpu.core_type<tc>, window_params = [{transform_indices = @transform_0, window_bounds = array<i64: 5, 8192>}, {transform_indices = @transform_1, window_bounds = array<i64: 8192>}, {transform_indices = @transform_2, window_bounds = array<i64: 8192>}]} {
    %get3A = arith.constant 0 : index
    %get3A_0 = arith.constant 0 : index
    %get3A_1 = vector.load %arg1[%get3A, %get3A_0] : memref<5x8192xf32, #tpu.memory_space<vmem>>, vector<5x8192xf32>
    %slice3A = vector.extract_strided_slice %get3A_1 {offsets = [0, 0], sizes = [1, 8192], strides = [1, 1]} : vector<5x8192xf32> to vector<1x8192xf32>
    %squeeze3A = vector.shape_cast %slice3A : vector<1x8192xf32> to vector<8192xf32>
    %convert_element_type3A = arith.fptosi %squeeze3A : vector<8192xf32> to vector<8192xi32>
    %slice3A_2 = vector.extract_strided_slice %get3A_1 {offsets = [1, 0], sizes = [1, 8192], strides = [1, 1]} : vector<5x8192xf32> to vector<1x8192xf32>
    %squeeze3A_3 = vector.shape_cast %slice3A_2 : vector<1x8192xf32> to vector<8192xf32>
    %convert_element_type3A_4 = arith.fptosi %squeeze3A_3 : vector<8192xf32> to vector<8192xi32>
    %slice3A_5 = vector.extract_strided_slice %get3A_1 {offsets = [3, 0], sizes = [1, 8192], strides = [1, 1]} : vector<5x8192xf32> to vector<1x8192xf32>
    %squeeze3A_6 = vector.shape_cast %slice3A_5 : vector<1x8192xf32> to vector<8192xf32>
    %convert_element_type3A_7 = arith.fptosi %squeeze3A_6 : vector<8192xf32> to vector<8192xi32>
    %slice3A_8 = vector.extract_strided_slice %get3A_1 {offsets = [4, 0], sizes = [1, 8192], strides = [1, 1]} : vector<5x8192xf32> to vector<1x8192xf32>
    %squeeze3A_9 = vector.shape_cast %slice3A_8 : vector<1x8192xf32> to vector<8192xf32>
    %convert_element_type3A_10 = arith.fptosi %squeeze3A_9 : vector<8192xf32> to vector<8192xi32>
    %mul3A = arith.constant 614400 : i32
    %mul3A_11 = vector.broadcast %mul3A : i32 to vector<8192xi32>
    %mul3A_12 = arith.muli %convert_element_type3A_10, %mul3A_11 : vector<8192xi32>
    %mul3A_13 = arith.constant 307200 : i32
    %mul3A_14 = vector.broadcast %mul3A_13 : i32 to vector<8192xi32>
    %mul3A_15 = arith.muli %convert_element_type3A_7, %mul3A_14 : vector<8192xi32>
    %add3A = arith.addi %mul3A_12, %mul3A_15 : vector<8192xi32>
    %mul3A_16 = arith.constant 640 : i32
    %mul3A_17 = vector.broadcast %mul3A_16 : i32 to vector<8192xi32>
    %mul3A_18 = arith.muli %convert_element_type3A_4, %mul3A_17 : vector<8192xi32>
    %add3A_19 = arith.addi %add3A, %mul3A_18 : vector<8192xi32>
    %add3A_20 = arith.addi %add3A_19, %convert_element_type3A : vector<8192xi32>
    %swap3A = arith.constant 0 : index
    %swap3A_21 = vector.load %arg2[%swap3A] : memref<8192xi32, #tpu.memory_space<vmem>>, vector<8192xi32>
    tpu.vector_store %arg2[%swap3A], %add3A_20 {strides = array<i32>} : memref<8192xi32, #tpu.memory_space<vmem>>, vector<8192xi32>,
    %slice3A_22 = vector.extract_strided_slice %get3A_1 {offsets = [2, 0], sizes = [1, 8192], strides = [1, 1]} : vector<5x8192xf32> to vector<1x8192xf32>
    %squeeze3A_23 = vector.shape_cast %slice3A_22 : vector<1x8192xf32> to vector<8192xf32>
    %swap3A_24 = arith.constant 0 : index
    %swap3A_25 = vector.load %arg3[%swap3A_24] : memref<8192xf32, #tpu.memory_space<vmem>>, vector<8192xf32>
    tpu.vector_store %arg3[%swap3A_24], %squeeze3A_23 {strides = array<i32>} : memref<8192xf32, #tpu.memory_space<vmem>>, vector<8192xf32>,
    return
  }
  func.func @transform_0(%arg0: i32) -> (i32, i32) {
    %c0_i32 = arith.constant 0 : i32
    %c0_i32_0 = arith.constant 0 : i32
    return %c0_i32, %arg0 : i32, i32
  }
  func.func @transform_1(%arg0: i32) -> i32 {
    %c0_i32 = arith.constant 0 : i32
    return %arg0 : i32
  }
  func.func @transform_2(%arg0: i32) -> i32 {
    %c0_i32 = arith.constant 0 : i32
    return %arg0 : i32
  }
}

</mosaic_0001>

<sc_bundles>
// kernel: kernel.4.cloned.1.call-start
scs
__scs_entry_jumppad:
0x0: {  	(pc) =	sbr.rel $0x88, $3  }
0x1: {  	(tag) =	ssettag $0x0;
	lr =	simm.s32 $0x1  }
0x2: {  	[smem:$0x3FA0] =	sst lr;
	_ =	strace $0xD0000000  }
0x3: {  	_ = 	snop  }
0x4: {  	_ = 	snop  }
0x5: {  	_ = 	snop  }
0x6: {  	_ = 	snop  }
0x7: {  	_ = 	snop  }
__scs_overlays_trampoline_lowered:
0x8: {  	[smem:$0x3FAF] =	sst s0  }
0x9: {  	[smem:$0x3FB0] =	sst s1  }
0xa: {  	[smem:$0x3FB1] =	sst s2  }
0xb: {  	[smem:$0x3FB2] =	sst s3  }
0xc: {  	[smem:$0x3FB3] =	sst s4  }
0xd: {  	[smem:$0x3FB4] =	sst s5  }
0xe: {  	[smem:$0x3FB5] =	sst s6  }
0xf: {  	[smem:$0x3FB6] =	sst s7  }
0x10: {  	[smem:$0x3FB7] =	sst s8  }
0x11: {  	[smem:$0x3FB8] =	sst s9;
	s0 =	simm.s32 @!p0 $0x0  }
0x12: {  	s1 =	sld [smem:$0x3F9E];
	s0 =	simm.s32 @p0 $0x1  }
0x13: {  	[smem:$0x3FB9] =	sst s0;
	s0 =	simm.s32 @!p1 $0x0  }
0x14: {  	s2 =	sld [smem:$0x3F9D];
	s0 =	simm.s32 @p1 $0x1  }
0x15: {  	[smem:$0x3FBA] =	sst s0;
	s0 =	simm.s32 @!p2 $0x0  }
0x16: {  	s3 =	sld [smem:$0x3FDB];
	s0 =	simm.s32 @p2 $0x1  }
0x17: {  	s4 =	simm.s32 $0x1BF5;
	[smem:$0x3FBC] =	sst s0  }
0x18: {  	s0 =	sld [smem:$0x3F9F];
	_ =	swait.ge [sflag:s4], $0x0  }
0x19: {  	s7 =	sld [smem:$0x3FA0]  }
0x1a: {  	s8 =	sadd.s32 $0xFFFFE003, lr  }
0x1b: {  	s9 =	sadd.s32 $0xFFFFFEF7, lr;
	s5 =	simm.s32 $0xFFFFFFFF;
	p2 =	slt.u32 s8, $0xFFFFF086  }
0x1c: {  	p1 =	slt.u32 s9, $0xF7A;
	s5 =	simm.s32 @!p2 $0x0  }
0x1d: {  	s5 =	simm.s32 @p1 $0x1;
	p0 =	seq.s32 s7, s2  }
0x1e: {  	s7 =	smul.u32 @!p0 $0xF7A, s2;
	p2 =	seq.s32 @!p0 s5, $0x0  }
0x1f: {  	s9 =	smul.u32 $0xF7A, s1;
	s8 =	simm.s32 @!p0 $0x1BF5;
	p2 =	por !p2, p0  }
0x20: {  	[sflag:s8] =	ssyncset.s32 @!p0 $0xFFFFF086;
	s6 =	sadd.s32 @!p0 s3, s7;
	s7 =	simm.s32 @!p0 $0x108  }
0x21: {  	s3 =	sadd.s32 s3, s9;
	s6 =	sadd.s32 @!p0 $0x88, s6;
	s7 =	simm.s32 @p2 $0x1082  }
0x22: {  	[simem:s7], [sflag:s8] =	dma.local @!p0 [hbm:s6], $0xF7A  }
0x23: {  	s9 =	sor.u32 $0xD0000000, s2;
	s6 =	simm.s32 $0x108;
	_ =	swait.ge @!p0 [sflag:s8], $0x0  }
0x24: {  	s3 =	sadd.s32 $0x88, s3;
	s6 =	simm.s32 @!p1 $0x1082;
	[sflag:s4] =	ssyncset.s32 $0xFFFFF086  }
0x25: {  	[simem:s6], [sflag:s4] =	dma.local [hbm:s3], $0xF7A  }
0x26: {  	[smem:$0x3FA0] =	sst s1;
	(tag) =	ssettag s2;
	_ =	strace s9  }
0x27: {  	s1 =	sld [smem:$0x3FB0]  }
0x28: {  	s2 =	sld [smem:$0x3FB1]  }
0x29: {  	s4 =	sld [smem:$0x3FB3]  }
0x2a: {  	p0 =	seq.s32 s5, $0x0;
	s5 =	sld [smem:$0x3FB4]  }
0x2b: {  	s6 =	sld [smem:$0x3FB5]  }
0x2c: {  	s7 =	sld [smem:$0x3FB6]  }
0x2d: {  	s3 =	simm.s32 $0x108;
	s8 =	sld [smem:$0x3FB7]  }
0x2e: {  	s3 =	simm.s32 @!p0 $0x1082;
	s9 =	sld [smem:$0x3FB8]  }
0x2f: {  	lr =	sadd.s32 s0, s3;
	s0 =	sld [smem:$0x3FAF]  }
0x30: {  	s3 =	sld [smem:$0x3FB2]  }
0x31: {  	[smem:$0x3FBB] =	sst s10  }
0x32: {  	s10 =	sld [smem:$0x3FB9];
	_ =	sdelay $0x3  }
0x33: {  	p0 =	seq.s32 s10, $0x1;
	s10 =	sld [smem:$0x3FBB];
	_ =	sdelay $0x3  }
0x34: {  	[smem:$0x3FBB] =	sst s10  }
0x35: {  	s10 =	sld [smem:$0x3FBA];
	_ =	sdelay $0x3  }
0x36: {  	p1 =	seq.s32 s10, $0x1;
	s10 =	sld [smem:$0x3FBB];
	_ =	sdelay $0x3  }
0x37: {  	[smem:$0x3FBB] =	sst s10  }
0x38: {  	s10 =	sld [smem:$0x3FBC]  }
0x39: {  	_ = 	snop;
	(pc) =	sbr.ind lr, $3  }
0x3a: {  	_ = 	snop  }
0x3b: {  	_ = 	snop  }
0x3c: {  	p2 =	seq.s32 s10, $0x1;
	s10 =	sld [smem:$0x3FBB]  }
0x3d: {  	_ =	shalt  }
0x3e: {  	_ =	shalt  }
0x3f: {  	_ =	shalt  }
0x40: {  	_ =	shalt  }
0x41: {  	_ =	shalt  }
0x42: {  	_ =	shalt  }
0x43: {  	_ =	shalt  }
0x44: {  	_ =	shalt  }
0x45: {  	_ =	shalt  }
0x46: {  	_ =	shalt  }
0x47: {  	_ =	shalt  }
0x48: {  	_ =	shalt  }
0x49: {  	_ =	shalt  }
0x4a: {  	_ =	shalt  }
0x4b: {  	_ =	shalt  }
0x4c: {  	_ =	shalt  }
0x4d: {  	_ =	shalt  }
0x4e: {  	_ =	shalt  }
0x4f: {  	_ =	shalt  }
0x50: {  	_ =	shalt  }
0x51: {  	_ =	shalt  }
0x52: {  	_ =	shalt  }
0x53: {  	_ =	shalt  }
0x54: {  	_ =	shalt  }
0x55: {  	_ =	shalt  }
0x56: {  	_ =	shalt  }
0x57: {  	_ =	shalt  }
0x58: {  	_ =	shalt  }
0x59: {  	_ =	shalt  }
0x5a: {  	_ =	shalt  }
0x5b: {  	_ =	shalt  }
0x5c: {  	_ =	shalt  }
0x5d: {  	_ =	shalt  }
0x5e: {  	_ =	shalt  }
0x5f: {  	_ =	shalt  }
0x60: {  	_ =	shalt  }
0x61: {  	_ =	shalt  }
0x62: {  	_ =	shalt  }
0x63: {  	_ =	shalt  }
0x64: {  	_ =	shalt  }
0x65: {  	_ =	shalt  }
0x66: {  	_ =	shalt  }
0x67: {  	_ =	shalt  }
0x68: {  	_ =	shalt  }
0x69: {  	_ =	shalt  }
0x6a: {  	_ =	shalt  }
0x6b: {  	_ =	shalt  }
0x6c: {  	_ =	shalt  }
0x6d: {  	_ =	shalt  }
0x6e: {  	_ =	shalt  }
0x6f: {  	_ =	shalt  }
0x70: {  	_ =	shalt  }
0x71: {  	_ =	shalt  }
0x72: {  	_ =	shalt  }
0x73: {  	_ =	shalt  }
0x74: {  	_ =	shalt  }
0x75: {  	_ =	shalt  }
0x76: {  	_ =	shalt  }
0x77: {  	_ =	shalt  }
0x78: {  	_ =	shalt  }
0x79: {  	_ =	shalt  }
0x7a: {  	_ =	shalt  }
0x7b: {  	_ =	shalt  }
0x7c: {  	_ =	shalt  }
0x7d: {  	_ =	shalt  }
0x7e: {  	_ =	shalt  }
0x7f: {  	_ =	shalt  }
0x80: {  	_ =	shalt  }
0x81: {  	_ =	shalt  }
0x82: {  	_ =	shalt  }
0x83: {  	_ =	shalt  }
0x84: {  	_ =	shalt  }
0x85: {  	_ =	shalt  }
0x86: {  	_ =	shalt  }
0x87: {  	_ =	shalt  }
.Lfunc_end0:
.L_simem_size_0:
called_computation_lowered:
.L_overlay_start_0:
0x88: {  	s2 =	sld [smem:$0x3FD9]  }
0x89: {  	s3 =	sld [smem:$0x3FFE];
	_ =	sdelay $0x1  }
0x8a: {  	s1 =	srdreg.scid  }
0x8b: {  	s0 =	sand.u32 $0x1, s1  }
0x8c: {  	s17 =	sshll.u32 s0, $0xA;
	s2 =	sadd.s32 s3, s2  }
0x8d: {  	s2 =	sadd.s32 s2, s17  }
0x8e: {  	[smem:$0x3FC7] =	sst s2  }
0x8f: {  	_ = 	snop  }
0x90: {  	s2 =	sld [smem:$0x3FD0];
	(tm) =	ssettm $0x1  }
0x91: {  	s18 =	sld [smem:$0x3FFB];
	_ =	sdelay $0x3  }
0x92: {  	_ =	strace s18  }
0x93: {  	s3 =	sld [smem:$0x3FFC];
	_ =	sdelay $0x3  }
0x94: {  	_ =	strace s3  }
0x95: {  	s3 =	sld [smem:$0x3FFD];
	_ =	sdelay $0x3  }
0x96: {  	_ =	strace s3  }
0x97: {  	_ =	strace $0x8FFFFFFF  }
0x98: {  	s19 =	sld [smem:$0x3FDB];
	_ =	sdelay $0x1  }
0x99: {  	s4 =	simm.s32 $_scs_section_size  }
0x9a: {  	s5 =	simm.s32 $_size__tile_overlayer_lowered;
	s6 =	simm.s32 $_tile_overlayer_lowered  }
0x9b: {  	s22 =	simm.s32 $0x1BFF;
	s21 =	sshll.u32 s6, $0x1;
	s3 =	sadd.s32 s4, s19  }
0x9c: {  	s7 =	simm.s32 $0x0;
	s20 =	sshll.u32 s5, $0x1;
	s5 =	sadd.s32 s21, s3  }
0x9d: {  	[timem:s7], [sflag:s22] =	dma.local [hbm:s5], s20  }
0x9e: {  	_ =	swait.ge [sflag:s22], s20  }
0x9f: {  	s4 =	ssub.s32 $0x0, s20;
	[sflag:s22] =	ssyncset.done $0x0  }
0xa0: {  	[sflag:s22] =	ssyncadd.s32 s4;
	_ =	sdelay $0x1  }
0xa1: {  	s23 =	simm.s32 $0x1B8B  }
0xa2: {  	_ =	swait.ge [sflag:s23], $0x1  }
0xa3: {  	[sflag:s23] =	ssyncset.done $0x0  }
0xa4: {  	s25 =	simm.s32 $0x1B8E;
	s24 =	sld [smem:$0x3FFE];
	[sflag:s23] =	ssyncadd.s32 $0xFFFFFFFF  }
0xa5: {  	s26 =	simm.s32 $execute0_lowered;
	[smem:$0x3FD2] =	sst s25  }
0xa6: {  	s5 =	sshll.u32 s26, $0x1;
	_ =	strace $0x80000046;
	[dreg:$0x1] =	wrdreg $0xFFFFFFFF  }
0xa7: {  	s28 =	simm.s32 $_size_execute0_lowered;
	s3 =	sadd.s32 s3, s5;
	[dreg:$0x0] =	wrdreg $0x0  }
0xa8: {  	s5 =	sshll.u32 s28, $0x1;
	[dreg:$0x2] =	wrdreg s3  }
0xa9: {  	[dreg:$0x3] =	wrdreg s5  }
0xaa: {  	[dreg:$0x4] =	wrdreg $0xC0  }
0xab: {  	_ =	task [dreg:s7], $0x5FFFF  }
0xac: {  	[dreg:$0x1] =	wrdreg $0xFFFFFFFF  }
0xad: {  	[dreg:$0x0] =	wrdreg $0x60  }
0xae: {  	[dreg:$0x2] =	wrdreg s2  }
0xaf: {  	[dreg:$0x3] =	wrdreg s24  }
0xb0: {  	[dreg:$0x4] =	wrdreg $0x171000  }
0xb1: {  	[dreg:$0x5] =	wrdreg $0x9  }
0xb2: {  	_ =	task.clear_ibuf [dreg:s7], $0x6FFFF;
	_ =	strace $0x90000046  }
0xb3: {  	s29 =	simm.s32 $0x9;
	_ =	strace $0x80000048  }
0xb4: {  	_ =	swait.ge [sflag:s29], $0x1  }
0xb5: {  	[sflag:s29] =	ssyncadd.s32 $0xFFFFFFFF  }
0xb6: {  	_ =	strace $0x90000048  }
0xb7: {  	_ =	sfence  }
0xb8: {  	s30 =	sld [smem:$0x0];
	_ =	sdelay $0x2  }
0xb9: {  	s31 =	sshll.u32 s1, $0xD;
	s1 =	sshrl.u32 s1, $0x2  }
0xba: {  	s3 =	sand.u32 $0x4000, s31;
	s1 =	sadd.s32 s1, s30  }
0xbb: {  	s0 =	sor.u32 s3, s0;
	s1 =	sshll.u32 s1, $0x11  }
0xbc: {  	s0 =	sor.u32 s1, s0  }
0xbd: {  	s0 =	sadd.s32 $0x8F2B, s0  }
0xbe: {  	[sflag:s0] =	ssyncadd.remote.s32 $0x1  }
0xbf: {  	_ =	sfence.sel $0xFFFF  }
0xc0: {  	[dreg:$0x0] =	wrdreg $0xFFFFFFFF;
	(pc) =	sbr.abs _section_cstart, $3  }
0xc1: {  	[dreg:$0x1] =	wrdreg $0xFFFFFFFF  }
0xc2: {  	_ =	task.clear_ibuf [dreg:s7], $0x2FFFF;
	_ =	strace $0x9FFFFFFF  }
0xc3: {  	(tm) =	ssettm $0x7FFFFFFF  }
tec
execute0_lowered:
.L_overlay_start_1:
0x0: {  	(tag) =	ssettag $0x1  }
0x1: {  	s1 =	rddreg [dreg:$0x0]  }
0x2: {  	s0 =	rddreg [dreg:$0x1]  }
0x3: {  	s2 =	rddreg [dreg:$0x2];
	s3 =	simm.s32 $0x0;
	s4 =	srdreg.scid  }
0x4: {  	s14 =	simm.s32 $0x4;
	s15 =	simm.s32 $0x2;
	s16 =	simm.s32 $0x280  }
0x5: {  	s17 =	simm.s32 $0x4380;
	s18 =	simm.s32 $0x16F80;
	s19 =	simm.s32 $0x17000  }
0x6: {  	s20 =	simm.s32 $0xD980;
	[smem:$0x7FF] =	sst s3;
	s5 =	sadd.s32 $0x400, s0  }
0x7: {  	s6 =	sadd.s32 $0x3DA00, s0;
	s29 =	sand.u32 $0x1, s4;
	s30 =	sadd.s32 $0x3DC00, s0  }
0x8: {  	s4 =	stileid.u32;
	s8 =	sadd.s32 $0x3DE00, s0;
	s7 =	ssub.s32 $0x2, s29  }
0x9: {  	_ =	strace $0x80000047;
	[dreg:$0x4] =	wrdreg s6;
	s31 =	sshrl.u32 s7, $0x1  }
0xa: {  	[dreg:$0x5] =	wrdreg s30;
	s10 =	sshll.u32 s4, $0x4;
	s0 =	ssub.s32 s7, s31  }
0xb: {  	s9 =	sshll.u32 s29, $0x4;
	s11 =	smul.u32 $0x9600, s4;
	s0 =	smax.u32 s0, $0x1  }
0xc: {  	v0 =	vimm.f32 $0.0e+00;
	v1 =	vlaneseq.u32;
	s10 =	sadd.s32 s10, s2;
	s7 =	simm.s32 $0x0;
	[dreg:$0x6] =	wrdreg s0  }
.LBB2_1:
0xd: {  	s0 =	rddreg [dreg:$0x5];
	s6 =	simm.s32 $0x17110  }
0xe: {  	[tilespmem:s6], [sflag:$0x4] =	stream.linear.gather [hbm4b:s0+s3], $0x1, $0x38;
	[tilespmem:$0x17190] =	vst v63  }
0xf: {  	_ =	swait.ge [sflag:s14], $0x1  }
0x10: {  	[sflag:s14] =	ssyncset.done $0x0  }
0x11: {  	s31 =	rddreg [dreg:$0x4];
	[sflag:s14] =	ssyncadd.s32 $0xFFFFFFFF  }
0x12: {  	v2 =	vld [tilespmem:$0x17110];
	[tilespmem:s3], [sflag:$0x4] =	stream.linear.gather [hbm4b:s31+s3], $0x280, $0x38  }
0x13: {  	_ =	swait.ge [sflag:s14], $0x280  }
0x14: {  	[sflag:s14] =	ssyncset.done $0x0  }
0x15: {  	s0 =	simm.s32 $0x43C0;
	[sflag:s14] =	ssyncadd.s32 $0xFFFFFD80  }
0x16: {  	[tilespmem:s0+$0xFFFFFFC0] =	vst v0  }
0x17: {  	[tilespmem:s0+$0x30] =	vst v0  }
0x18: {  	[tilespmem:s0+$0x20] =	vst v0  }
0x19: {  	[tilespmem:s0+$0x10] =	vst v0  }
0x1a: {  	[tilespmem:s0+$0x0] =	vst v0  }
0x1b: {  	[tilespmem:s0+$0xFFFFFFF0] =	vst v0  }
0x1c: {  	s6 =	simm.s32 $0x0;
	[tilespmem:s0+$0xFFFFFFE0] =	vst v0  }
.LBB2_2:
0x1d: {  	s6 =	sadd.s32 $0x8, s6;
	[tilespmem:s0+$0xFFFFFFD0] =	vst v0;
	s0 =	sadd.s32 $0x80, s0  }
0x1e: {  	[tilespmem:s0+$0xFFFFFFC0] =	vst v0;
	p0 =	slt.u32 s6, $0x958  }
0x1f: {  	[tilespmem:s0+$0x30] =	vst v0  }
.Ltmp0:
0x20: {  	[tilespmem:s0+$0x20] =	vst v0;
	(pc) =	sbr.rel @p0 .LBB2_2-.Ltmp0, $4  }
0x21: {  	[tilespmem:s0+$0x10] =	vst v0  }
0x22: {  	[tilespmem:s0+$0x0] =	vst v0  }
0x23: {  	[tilespmem:s0+$0xFFFFFFF0] =	vst v0  }
0x24: {  	[tilespmem:s0+$0xFFFFFFE0] =	vst v0  }
0x25: {  	[dreg:$0x7] =	wrdreg s7;
	[tilespmem:s0+$0xFFFFFFD0] =	vst v0;
	v2 =	vbroadcast v2, $0x0;
	s23 =	simm.s32 $0x0  }
.LBB2_4:
0x26: {  	s24 =	sadd.s32 s9, s23  }
0x27: {  	s0 =	sshll.u32 s24, $0x4  }
0x28: {  	s0 =	sor.u32 s4, s0  }
0x29: {  	v3 =	vmov s0  }
0x2a: {  	v4 =	vadd.s32 $0x1, v3;
	_ =	sdelay $0x3  }
0x2b: {  	v3 =	vld.idx.msk [tilespmem:v3+s3+$0x0], $0xffff  }
0x2c: {  	v4 =	vld.idx.msk [tilespmem:v4+s3+$0x0], $0xffff;
	_ =	sdelay $0x3  }
0x2d: {  	v3 =	vxor.u32 $0x80000000, v3  }
0x2e: {  	(xrf0) =	vmin.scan.msk.u32 $0xffff, v3;
	v3 =	vxor.u32 $0x80000000, v4  }
0x2f: {  	(xrf0) =	vmin.scan.msk.u32 $0xffff, v3;
	_ =	sdelay $0x4  }
0x30: {  	v3, _, _ =	vpop (xrf0)  }
0x31: {  	(v2sf) =	vpush v3, $0xF;
	v3, _, _ =	vpop (xrf0)  }
0x32: {  	(v2sf) =	vpush v3, $0xF;
	_ =	sdelay $0xd  }
0x33: {  	s6 =	spop (v2sf)  }
0x34: {  	s6 =	sxor.u32 $0x80000000, s6;
	s7 =	spop (v2sf)  }
0x35: {  	s25 =	sxor.u32 $0x80000000, s7;
	s26 =	sand.u32 $0xFFFFFFF8, s6  }
0x36: {  	s12 =	ssub.s32 s25, s26  }
0x37: {  	s12 =	sadd.s32 $0x1FFF, s12  }
0x38: {  	s13 =	sand.u32 $0x1FFF, s12  }
0x39: {  	s31 =	sshra.s32 s12, $0x1F;
	p1 =	slt.s32 s12, $0x1;
	p0 =	sne.s32 s13, $0x0  }
0x3a: {  	s13 =	sshrl.u32 s31, $0x13;
	p0 =	por !p1, !p0  }
0x3b: {  	s12 =	sadd.s32 s13, s12;
	s13 =	simm.s32 $0x1;
	p0 =	por !p0, !p0  }
0x3c: {  	s12 =	sshra.s32 s12, $0xD;
	s13 =	simm.s32 @!p0 $0x0  }
0x3d: {  	s28 =	ssub.s32 s12, s13  }
0x3e: {  	p0 =	slt.s32 s28, $0x1  }
.Ltmp1:
0x3f: {  	_ = 	snop;
	(pc) =	sbr.rel @p0 .LBB2_14-.Ltmp1, $2  }
0x40: {  	_ =	sdelay $0x2  }
0x41: {  	v6 =	vmov v2  }
.Ltmp2:
0x42: {  	(pc) =	sbr.rel .LBB2_6-.Ltmp2, $4  }
0x43: {  	_ = 	snop  }
0x44: {  	s0 =	smul.u32 $0xFFFF6A00, s0  }
0x45: {  	s7 =	ssub.s32 s7, s26  }
0x46: {  	v3 =	vmov s6;
	v4 =	vmov s25;
	s30 =	simm.s32 $0x0;
	s31 =	smov.u32 s26;
	v6 =	vmovc v2;
	s29 =	sadd.s32 $0x80000000, s7;
	v5 =	vmov s0  }
.LBB2_8:
0x47: {  	v7 =	vmov v6;
	s12 =	simm.s32 $0x280;
	s7 =	simm.s32 $0x2300  }
.LBB2_12:
0x48: {  	_ =	sdelay $0x4  }
0x49: {  	[tilespmem:v10+s17+$0x0] =	vst.idx.msk @p0 vm0, v8;
	s12 =	sadd.s32 @p0 $0x10, s12  }
0x4a: {  	v9 =	vld.idx.msk [tilespmem:v9+s16+$0x0], $0xffff;
	s13 =	smov.u32 @p0 s12  }
0x4b: {  	v10 =	vld [tilespmem:s13+$0x0]  }
0x4c: {  	s6 =	sadd.s32 s6, s31  }
0x4d: {  	s6 =	sadd.s32 $0xFFFFFFFF, s6  }
0x4e: {  	v11 =	vadd.s32 s6, v1  }
0x4f: {  	s6 =	sadd.s32 @p0 $0x10, s7;
	vm1 =	vge.s32 v11, v3;
	vm2 =	vlt.s32 v11, v4  }
0x50: {  	s0 =	smov.u32 @p0 s6;
	vm1 =	vmand vm1, vm2;
	vm15 =	vne.s32 v10, v9  }
0x51: {  	v63 =	vld [tilespmem:s0+$0x0];
	v62 =	vadd.s32 v5, v10;
	vm1 =	vmand vm1, vm15  }
0x52: {  	v9 =	vnsel vm1, $0x0, v62;
	_ =	sdelay $0x1  }
0x53: {  	v8 =	vsel @p0 vm0, v8, v2  }
0x54: {  	v7 =	vmin.f32 @p0 v7, v8  }
0x55: {  	v6 =	vpsel p0, v7, v6;
	v7 =	vsel vm1, v63, v2  }
0x56: {  	v6 =	vmin.f32 v6, v7;
	[tilespmem:v9+s17+$0x0] =	vst.idx.msk vm1, v63  }
.LBB2_13:
0x57: {  	s30 =	sadd.s32 $0x1, s30  }
0x58: {  	p0 =	sne.s32 s30, s28  }
.Ltmp3:
0x59: {  	_ = 	snop;
	(pc) =	sbr.rel @!p0 .LBB2_14-.Ltmp3, $2  }
0x5a: {  	_ =	sdelay $0x2  }
0x5b: {  	s29 =	sadd.s32 $0xFFFFE000, s29;
	s31 =	sadd.s32 $0x2000, s31  }
.LBB2_6:
0x5c: {  	s0 =	sshll.u32 s30, $0xD  }
0x5d: {  	s7 =	sadd.s32 s26, s0  }
0x5e: {  	s0 =	sshrl.u32 s7, $0x3  }
0x5f: {  	s13 =	simm.s32 $0x280;
	s7 =	ssub.s32 s25, s7;
	s6 =	sadd.s32 s1, s0  }
0x60: {  	[tilespmem:s13], [sflag:$0x1] =	stream.linear.gather [hbm4b:s6+s3], $0x2010, $0x38;
	[tilespmem:$0x17190] =	vst v63  }
0x61: {  	s22 =	sadd.s32 s5, s0;
	s0 =	simm.s32 $0x2300;
	s6 =	simm.s32 $0x1  }
0x62: {  	[tilespmem:s0], [sflag:$0x2] =	stream.linear.gather [hbm4b:s22+s3], $0x2010, $0x38;
	[tilespmem:$0x17190] =	vst v63  }
0x63: {  	p0 =	slt.s32 s7, $0x1;
	_ =	swait.ge [sflag:s6], $0x2010  }
.Ltmp4:
0x64: {  	[sflag:s6] =	ssyncset.done $0x0;
	(pc) =	sbr.rel @p0 .LBB2_13-.Ltmp4, $4  }
0x65: {  	[sflag:s6] =	ssyncadd.s32 $0xFFFFDFF0  }
0x66: {  	_ =	swait.ge [sflag:s15], $0x2010  }
0x67: {  	[sflag:s15] =	ssyncset.done $0x0  }
0x68: {  	[sflag:s15] =	ssyncadd.s32 $0xFFFFDFF0  }
0x69: {  	s7 =	smin.u32 s29, $0x2000  }
0x6a: {  	s7 =	sadd.s32 $0xF, s7  }
0x6b: {  	s7 =	sshrl.u32 s7, $0x4  }
0x6c: {  	p1 =	sne.s32 s7, $0x1  }
.Ltmp5:
0x6d: {  	_ = 	snop;
	(pc) =	sbr.rel @!p1 .LBB2_8-.Ltmp5, $2  }
0x6e: {  	_ =	sdelay $0x2  }
0x6f: {  	v9 =	vadd.s32 s6, v1;
	p0 =	por $0x0, $0x0;
	s7 =	sadd.s32 $0xFFFFFFFF, s7  }
0x70: {  	_ =	sdelay $0x3  }
0x71: {  	v7 =	vld.idx.msk [tilespmem:v9+s16+$0x0], $0xffff  }
0x72: {  	v8 =	vld [tilespmem:s13+$0x0]  }
0x73: {  	s6 =	sadd.s32 $0x1, s31  }
0x74: {  	s6 =	sadd.s32 $0xFFFFFFFF, s6  }
0x75: {  	p1 =	sne.s32 s7, $0x1;
	v9 =	vadd.s32 s6, v1  }
.Ltmp6:
0x76: {  	vm0 =	vge.s32 v9, v3;
	vm1 =	vlt.s32 v9, v4;
	(pc) =	sbr.rel @!p1 .LBB2_10-.Ltmp6, $4  }
0x77: {  	vm0 =	vmand vm0, vm1;
	vm1 =	vne.s32 v8, v7;
	v7 =	vadd.s32 v5, v8  }
0x78: {  	vm0 =	vmand vm0, vm1  }
0x79: {  	s21 =	sadd.s32 $0xFFFFFFFF, s7;
	s6 =	simm.s32 $0x11;
	v8 =	vld [tilespmem:s0+$0x0];
	v10 =	vnsel vm0, $0x0, v7  }
0x7a: {  	p0 =	por $0x1, $0x1;
	s12 =	simm.s32 $0x280;
	s7 =	simm.s32 $0x2300;
	v9 =	vadd.s32 s6, v1;
	v7 =	vmov v6  }
.LBB2_11:
0x7b: {  	p1 =	sne.s32 s21, $0x1;
	_ =	sdelay $0x2  }
0x7c: {  	[tilespmem:v10+s17+$0x0] =	vst.idx.msk vm0, v8;
	v8 =	vsel vm0, v8, v2  }
0x7d: {  	s12 =	sadd.s32 $0x10, s12;
	v9 =	vld.idx.msk [tilespmem:v9+s16+$0x0], $0xffff;
	v7 =	vmin.f32 v7, v8  }
0x7e: {  	v8 =	vld [tilespmem:s12+$0x0]  }
0x7f: {  	s22 =	sadd.s32 s6, s31  }
0x80: {  	s22 =	sadd.s32 $0xFFFFFFFF, s22  }
0x81: {  	v10 =	vadd.s32 s22, v1  }
.Ltmp7:
0x82: {  	vm0 =	vge.s32 v10, v3;
	vm1 =	vlt.s32 v10, v4;
	(pc) =	sbr.rel @p1 .LBB2_11-.Ltmp7, $4  }
0x83: {  	vm0 =	vmand vm0, vm1;
	vm1 =	vne.s32 v8, v9  }
0x84: {  	s7 =	sadd.s32 $0x10, s7;
	v9 =	vadd.s32 v5, v8;
	vm0 =	vmand vm0, vm1  }
0x85: {  	s6 =	sadd.s32 $0x10, s6;
	v8 =	vld [tilespmem:s7+$0x0];
	v10 =	vnsel vm0, $0x0, v9  }
0x86: {  	s21 =	sadd.s32 $0xFFFFFFFF, s21;
	v9 =	vadd.s32 s6, v1  }
.Ltmp8:
0x87: {  	_ = 	snop;
	(pc) =	sbr.rel .LBB2_12-.Ltmp8, $1  }
0x88: {  	_ =	sdelay $0x3  }
.LBB2_10:
.Ltmp9:
0x89: {  	(pc) =	sbr.rel .LBB2_12-.Ltmp9, $2  }
0x8a: {  	_ =	sdelay $0x2  }
0x8b: {  	v7 =	vmov v6;
	s12 =	simm.s32 $0x280;
	s7 =	simm.s32 $0x2300  }
.LBB2_14:
0x8c: {  	(xrf0) =	vmin.scan.msk.f32 $0xffff, v6;
	_ =	sdelay $0x5  }
0x8d: {  	v3, _, _ =	vpop (xrf0)  }
0x8e: {  	v3 =	vbroadcast v3, $0xF;
	_ =	sdelay $0x1  }
0x8f: {  	[tilespmem:$0x16F80] =	vst v3  }
0x90: {  	[spmem:s10] =	stream.linear.scatter [tilespmem:s18], [sflag:$0x4], $0x10, $0x38;
	[tilespmem:$0x17190] =	vst v63  }
0x91: {  	_ =	swait.ge [sflag:s14], $0x10  }
0x92: {  	[sflag:s14] =	ssyncset.done $0x0  }
0x93: {  	[sflag:s14] =	ssyncadd.s32 $0xFFFFFFF0  }
0x94: {  	[bflag:$0x0] =	sbarrier.arrive $0xFFFF  }
0x95: {  	[tilespmem:s19], [sflag:$0x4] =	stream.linear.gather [spmem:s2], $0x100, $0x38;
	[tilespmem:$0x17190] =	vst v63  }
0x96: {  	_ =	swait.ge [sflag:s14], $0x100  }
0x97: {  	[sflag:s14] =	ssyncset.done $0x0  }
0x98: {  	[sflag:s14] =	ssyncadd.s32 $0xFFFFFF00  }
0x99: {  	[bflag:$0x0] =	sbarrier.arrive $0xFFFF  }
0x9a: {  	v3 =	vld [tilespmem:$0x17000]  }
0x9b: {  	v4 =	vld [tilespmem:$0x17010]  }
0x9c: {  	v5 =	vld [tilespmem:$0x17020]  }
0x9d: {  	v57 =	vld [tilespmem:$0x17030]  }
0x9e: {  	v7 =	vld [tilespmem:$0x17040]  }
0x9f: {  	v8 =	vld [tilespmem:$0x17050];
	v3 =	vmin.f32 v2, v3  }
0xa0: {  	v3 =	vmin.f32 v3, v4;
	v4 =	vld [tilespmem:$0x17060]  }
0xa1: {  	v3 =	vmin.f32 v3, v5;
	v5 =	vld [tilespmem:$0x17070]  }
0xa2: {  	v58 =	vld [tilespmem:$0x17080];
	v3 =	vmin.f32 v3, v57  }
0xa3: {  	v59 =	vld [tilespmem:$0x17090];
	v3 =	vmin.f32 v3, v7  }
0xa4: {  	v60 =	vld [tilespmem:$0x170A0];
	v3 =	vmin.f32 v3, v8  }
0xa5: {  	v3 =	vmin.f32 v3, v4;
	v4 =	vld [tilespmem:$0x170B0]  }
0xa6: {  	v3 =	vmin.f32 v3, v5;
	v5 =	vld [tilespmem:$0x170C0]  }
0xa7: {  	v61 =	vld [tilespmem:$0x170D0];
	v3 =	vmin.f32 v3, v58  }
0xa8: {  	v62 =	vld [tilespmem:$0x170E0];
	v3 =	vmin.f32 v3, v59  }
0xa9: {  	v63 =	vld [tilespmem:$0x170F0];
	v3 =	vmin.f32 v3, v60  }
0xaa: {  	v3 =	vmin.f32 v3, v4  }
0xab: {  	v3 =	vmin.f32 v3, v5  }
0xac: {  	v3 =	vmin.f32 v3, v61  }
0xad: {  	v3 =	vmin.f32 v3, v62  }
0xae: {  	v3 =	vmin.f32 v3, v63  }
0xaf: {  	(xrf0) =	vmin.scan.msk.f32 $0xffff, v3;
	_ =	sdelay $0x4  }
0xb0: {  	p0 =	seq.s32 s23, $0x0  }
0xb1: {  	s0 =	simm.s32 @!p0 $0x3;
	v3, _, _ =	vpop (xrf0)  }
0xb2: {  	_ =	swait.ge @!p0 [sflag:s0], $0x9600  }
0xb3: {  	[sflag:s0] =	ssyncset.done @!p0 $0x0  }
0xb4: {  	s25 =	simm.s32 $0x43C0;
	[sflag:s0] =	ssyncadd.s32 @!p0 $0xFFFF6A00  }
0xb5: {  	v4 =	vld [tilespmem:s25+$0xFFFFFFC0];
	_ =	sdelay $0x2  }
0xb6: {  	v3 =	vbroadcast v3, $0xF;
	_ =	sdelay $0x1  }
0xb7: {  	v4 =	vsub.f32 v4, v3;
	_ =	sdelay $0x1  }
0xb8: {  	s26 =	simm.s32 $0xD9C0;
	v4 =	vmax.f32 v4, $0.0e+00  }
0xb9: {  	[tilespmem:s26+$0xFFFFFFC0] =	vst v4  }
0xba: {  	v4 =	vld [tilespmem:s25+$0xFFFFFFD0];
	_ =	sdelay $0x4  }
0xbb: {  	v4 =	vsub.f32 v4, v3;
	_ =	sdelay $0x1  }
0xbc: {  	[tilespmem:s25+$0xFFFFFFC0] =	vst v0;
	v4 =	vmax.f32 v4, $0.0e+00  }
0xbd: {  	[tilespmem:s26+$0xFFFFFFD0] =	vst v4  }
0xbe: {  	v4 =	vld [tilespmem:s25+$0xFFFFFFE0];
	_ =	sdelay $0x4  }
0xbf: {  	v4 =	vsub.f32 v4, v3;
	_ =	sdelay $0x1  }
0xc0: {  	[tilespmem:s25+$0xFFFFFFD0] =	vst v0;
	v4 =	vmax.f32 v4, $0.0e+00  }
0xc1: {  	[tilespmem:s26+$0xFFFFFFE0] =	vst v4  }
0xc2: {  	v4 =	vld [tilespmem:s25+$0xFFFFFFF0];
	_ =	sdelay $0x4  }
0xc3: {  	v4 =	vsub.f32 v4, v3;
	_ =	sdelay $0x1  }
0xc4: {  	[tilespmem:s25+$0xFFFFFFE0] =	vst v0;
	v4 =	vmax.f32 v4, $0.0e+00  }
0xc5: {  	[tilespmem:s26+$0xFFFFFFF0] =	vst v4  }
0xc6: {  	v4 =	vld [tilespmem:s25+$0x0];
	_ =	sdelay $0x4  }
0xc7: {  	v4 =	vsub.f32 v4, v3;
	_ =	sdelay $0x1  }
0xc8: {  	[tilespmem:s25+$0xFFFFFFF0] =	vst v0;
	v4 =	vmax.f32 v4, $0.0e+00  }
0xc9: {  	[tilespmem:s26+$0x0] =	vst v4  }
0xca: {  	v4 =	vld [tilespmem:s25+$0x10];
	_ =	sdelay $0x4  }
0xcb: {  	v4 =	vsub.f32 v4, v3;
	_ =	sdelay $0x1  }
0xcc: {  	[tilespmem:s25+$0x0] =	vst v0;
	v4 =	vmax.f32 v4, $0.0e+00  }
0xcd: {  	[tilespmem:s26+$0x10] =	vst v4  }
0xce: {  	v4 =	vld [tilespmem:s25+$0x20];
	_ =	sdelay $0x4  }
0xcf: {  	v4 =	vsub.f32 v4, v3;
	_ =	sdelay $0x1  }
0xd0: {  	[tilespmem:s25+$0x10] =	vst v0;
	v4 =	vmax.f32 v4, $0.0e+00  }
0xd1: {  	[tilespmem:s26+$0x20] =	vst v4  }
0xd2: {  	v4 =	vld [tilespmem:s25+$0x30];
	_ =	sdelay $0x4  }
0xd3: {  	v4 =	vsub.f32 v4, v3;
	_ =	sdelay $0x1  }
0xd4: {  	[tilespmem:s25+$0x20] =	vst v0;
	v4 =	vmax.f32 v4, $0.0e+00  }
0xd5: {  	s28 =	simm.s32 $0x0;
	s29 =	simm.s32 $0x4440;
	[tilespmem:s26+$0x30] =	vst v4  }
.LBB2_15:
0xd6: {  	v4 =	vld [tilespmem:s29+$0xFFFFFFC0];
	s28 =	sadd.s32 $0x8, s28;
	[tilespmem:s25+$0x30] =	vst v0;
	s25 =	smov.u32 s29  }
0xd7: {  	p0 =	slt.u32 s28, $0x958;
	_ =	sdelay $0x3  }
0xd8: {  	v4 =	vsub.f32 v4, v3;
	_ =	sdelay $0x1  }
0xd9: {  	s26 =	sadd.s32 $0x80, s26;
	v4 =	vmax.f32 v4, $0.0e+00  }
0xda: {  	[tilespmem:s26+$0xFFFFFFC0] =	vst v4  }
0xdb: {  	v4 =	vld [tilespmem:s29+$0xFFFFFFD0];
	_ =	sdelay $0x4  }
0xdc: {  	v4 =	vsub.f32 v4, v3;
	_ =	sdelay $0x1  }
0xdd: {  	[tilespmem:s29+$0xFFFFFFC0] =	vst v0;
	v4 =	vmax.f32 v4, $0.0e+00  }
0xde: {  	[tilespmem:s26+$0xFFFFFFD0] =	vst v4  }
0xdf: {  	v4 =	vld [tilespmem:s29+$0xFFFFFFE0];
	_ =	sdelay $0x4  }
0xe0: {  	v4 =	vsub.f32 v4, v3;
	_ =	sdelay $0x1  }
0xe1: {  	[tilespmem:s29+$0xFFFFFFD0] =	vst v0;
	v4 =	vmax.f32 v4, $0.0e+00  }
0xe2: {  	[tilespmem:s26+$0xFFFFFFE0] =	vst v4  }
0xe3: {  	v4 =	vld [tilespmem:s29+$0xFFFFFFF0];
	_ =	sdelay $0x4  }
0xe4: {  	v4 =	vsub.f32 v4, v3;
	_ =	sdelay $0x1  }
0xe5: {  	[tilespmem:s29+$0xFFFFFFE0] =	vst v0;
	v4 =	vmax.f32 v4, $0.0e+00  }
0xe6: {  	[tilespmem:s26+$0xFFFFFFF0] =	vst v4  }
0xe7: {  	v4 =	vld [tilespmem:s29+$0x0];
	_ =	sdelay $0x4  }
0xe8: {  	v4 =	vsub.f32 v4, v3;
	_ =	sdelay $0x1  }
0xe9: {  	[tilespmem:s29+$0xFFFFFFF0] =	vst v0;
	v4 =	vmax.f32 v4, $0.0e+00  }
0xea: {  	[tilespmem:s26+$0x0] =	vst v4  }
0xeb: {  	v4 =	vld [tilespmem:s29+$0x10];
	_ =	sdelay $0x4  }
0xec: {  	v4 =	vsub.f32 v4, v3;
	_ =	sdelay $0x1  }
0xed: {  	[tilespmem:s29+$0x0] =	vst v0;
	v4 =	vmax.f32 v4, $0.0e+00  }
0xee: {  	[tilespmem:s26+$0x10] =	vst v4  }
0xef: {  	v4 =	vld [tilespmem:s29+$0x20];
	_ =	sdelay $0x4  }
0xf0: {  	v4 =	vsub.f32 v4, v3;
	_ =	sdelay $0x1  }
0xf1: {  	[tilespmem:s29+$0x10] =	vst v0;
	v4 =	vmax.f32 v4, $0.0e+00  }
0xf2: {  	[tilespmem:s26+$0x20] =	vst v4  }
0xf3: {  	[tilespmem:s29+$0x20] =	vst v0;
	v4 =	vld [tilespmem:s29+$0x30];
	_ =	sdelay $0x3  }
.Ltmp10:
0xf4: {  	(pc) =	sbr.rel @p0 .LBB2_15-.Ltmp10, $3  }
0xf5: {  	v4 =	vsub.f32 v4, v3;
	_ =	sdelay $0x1  }
0xf6: {  	v4 =	vmax.f32 v4, $0.0e+00  }
0xf7: {  	s29 =	sadd.s32 $0x80, s29;
	[tilespmem:s26+$0x30] =	vst v4  }
0xf8: {  	s23 =	sadd.s32 $0x1, s23  }
0xf9: {  	s0 =	smul.u32 $0x96000, s24;
	p0 =	sne.s32 s23, $0x10  }
.Ltmp11:
0xfa: {  	_ = 	snop;
	(pc) =	sbr.rel @p0 .LBB2_4-.Ltmp11, $4  }
0xfb: {  	s0 =	sadd.s32 s11, s0  }
0xfc: {  	s0 =	sshrl.u32 s0, $0x3  }
0xfd: {  	[tilespmem:s25+$0x30] =	vst v0;
	s0 =	sadd.s32 s8, s0  }
0xfe: {  	[hbm4b:s0+s3] =	stream.linear.scatter [tilespmem:s20], [sflag:$0x3], $0x9600, $0x38;
	[tilespmem:$0x17190] =	vst v63  }
0xff: {  	s6 =	simm.s32 $0x3  }
0x100: {  	_ =	swait.ge [sflag:s6], $0x9600  }
0x101: {  	s7 =	rddreg [dreg:$0x7]  }
0x102: {  	s0 =	rddreg [dreg:$0x6];
	s7 =	sadd.s32 $0x1, s7  }
0x103: {  	p0 =	sne.s32 s7, s0  }
.Ltmp12:
0x104: {  	_ = 	snop;
	(pc) =	sbr.rel @p0 .LBB2_1-.Ltmp12, $3  }
0x105: {  	_ =	sdelay $0x1  }
0x106: {  	[sflag:s6] =	ssyncset.done $0x0  }
0x107: {  	[sflag:s6] =	ssyncadd.s32 $0xFFFF6A00  }
0x108: {  	_ =	sfence.sel $0x180000  }
0x109: {  	[bflag:$0x0] =	sbarrier.arrive $0xFFFF  }
0x10a: {  	_ =	strace $0x90000047  }
0x10b: {  	[bflag:$0x2] =	sbarrier.arrive $0xFFFF  }
0x10c: {  	p0 =	sne.s32 s4, $0x0;
	s0 =	rddreg [dreg:$0x3]  }
0x10d: {  	s0 =	sadd.s32 @!p0 $0x100000, s0  }
0x10e: {  	[sflag:s0] =	ssyncadd.tile.s32 @!p0 $0x1;
	_ =	shalt  }
.Lfunc_end2:
_tile_overlayer_lowered:
.L_overlay_start_2:
0x10f: {  	(tag) =	ssettag $0x2  }
0x110: {  	s0 =	rddreg [dreg:$0x0];
	s2 =	stileid.u32  }
0x111: {  	s1 =	rddreg [dreg:$0x1];
	p0 =	sne.s32 s2, $0x0  }
0x112: {  	s3 =	rddreg [dreg:$0x2];
	[bflag:$0x3] =	sbarrier.arrive $0xFFFF;
	s2 =	simm.s32 @!p0 $0x1C04  }
0x113: {  	[timem:s3], [sflag:s2] =	dma.local @!p0 [hbm:s0], s1  }
0x114: {  	s0 =	simm.s32 @!p0 $0x4  }
0x115: {  	_ =	swait.ge @!p0 [sflag:s0], s1  }
0x116: {  	s1 =	ssub.s32 @!p0 $0x0, s1;
	[sflag:s0] =	ssyncset.done @!p0 $0x0  }
0x117: {  	[sflag:s0] =	ssyncadd.s32 @!p0 s1  }
0x118: {  	[bflag:$0x3] =	sbarrier.arrive $0xFFFF  }
0x119: {  	_ =	shalt  }

</sc_bundles>
